<compile_context>
chip_gen: v7x
topology: tpu7x:2x2x1
jax: 0.10.2.dev20260603
libtpu: 0.0.44.dev20260713+nightly
codegen_flags: <defaults>
</compile_context>

<pallas_src>
import functools

import jax
import jax.numpy as jnp
from jax import lax
from jax.experimental import pallas as pl
from jax.experimental.pallas import tpu as pltpu
from jax.experimental.pallas import tpu_sc as plsc

DM = 64
CB = 1024
BN_EPS = 1e-5
NPIX = 4 * 224 * 224
NTOK = 4 * 112 * 112


def _conv1_h(xa_ref, xb_ref, w1_ref):
    win = jnp.concatenate([xa_ref[0], xb_ref[0, :2]], axis=0)
    x27 = jnp.concatenate([win[ky:ky + 16] for ky in range(3)],
                          axis=2).reshape(16 * 224, 27)
    return jnp.dot(x27, w1_ref[...], preferred_element_type=jnp.float32)


def _stats1_kernel(xa_ref, xb_ref, w1_ref, s1_ref, s2_ref):
    i = pl.program_id(0)

    @pl.when(i == 0)
    def _():
        s1_ref[...] = jnp.zeros_like(s1_ref)
        s2_ref[...] = jnp.zeros_like(s2_ref)

    h = _conv1_h(xa_ref, xb_ref, w1_ref)
    s1_ref[...] += jnp.sum(h, axis=0, keepdims=True)
    s2_ref[...] += jnp.sum(h * h, axis=0, keepdims=True)


def _encode_kernel(xa_ref, xb_ref, w1_ref, g1_ref, b1_ref, s1_ref, s2_ref,
                   cbt_ref, idx_ref, loss_ref):
    i = pl.program_id(0)
    mean = s1_ref[...] / NPIX
    var = s2_ref[...] / NPIX - mean * mean
    scale = g1_ref[...] * jax.lax.rsqrt(var + BN_EPS)
    shift = b1_ref[...] - mean * scale

    h = _conv1_h(xa_ref, xb_ref, w1_ref)
    y = jnp.maximum(h * scale + shift, 0.0)
    y3 = y.reshape(16, 224, DM)
    p = jnp.max(y3.reshape(16, 112, 2, DM), axis=2)
    p = jnp.max(p.reshape(8, 2, 112, DM), axis=1)
    tok = p.reshape(896, DM)

    tsq = jnp.sum(tok * tok, axis=1, keepdims=True)
    csq = jnp.sum(cbt_ref[...] * cbt_ref[...], axis=0, keepdims=True)
    dist = tsq - jnp.dot(tok, cbt_ref[...] * 2.0,
                         preferred_element_type=jnp.float32) + csq
    mind = jnp.min(dist, axis=1, keepdims=True)
    lanes = jax.lax.broadcasted_iota(jnp.int32, dist.shape, 1)
    idx = jnp.min(jnp.where(dist == mind, lanes, jnp.int32(1 << 30)), axis=1)
    idx_ref[...] = idx.reshape(1, 1, 896)

    @pl.when(i == 0)
    def _():
        loss_ref[...] = jnp.zeros_like(loss_ref)

    loss_ref[...] += jnp.sum(mind)


def _decode_kernel(q_ref, qprev_ref, qnext_ref, w2_ref,
                   p00_ref, p01_ref, p10_ref, p11_ref, s1_ref, s2_ref):
    i = pl.program_id(0)
    rc = i % 14
    cur = q_ref[0]
    top = jnp.where(rc > 0, qprev_ref[0, 7], 0.0)
    bot = jnp.where(rc < 13, qnext_ref[0, 0], 0.0)
    qwin = jnp.concatenate([top[None], cur, bot[None]], axis=0)
    zc = jnp.zeros((10, 1, DM), jnp.float32)
    qs = jnp.concatenate([zc, qwin, zc], axis=1)

    @pl.when(i == 0)
    def _():
        s1_ref[...] = jnp.zeros_like(s1_ref)
        s2_ref[...] = jnp.zeros_like(s2_ref)

    outs = [p00_ref, p01_ref, p10_ref, p11_ref]
    for py in range(2):
        for px in range(2):
            acc = jnp.zeros((8 * 112, 4), jnp.float32)
            for ia in range(2):
                for ja in range(2):
                    sl = jax.lax.slice(
                        qs, (py + ia, px + ja, 0),
                        (py + ia + 8, px + ja + 112, DM)).reshape(8 * 112, DM)
                    acc = acc + jnp.dot(sl, w2_ref[py, px, ia, ja],
                                        preferred_element_type=jnp.float32)
            outs[2 * py + px][...] = acc.reshape(1, 8, 112, 4)
            s1_ref[...] += jnp.sum(acc, axis=0, keepdims=True)
            s2_ref[...] += jnp.sum(acc * acc, axis=0, keepdims=True)


def _finish_kernel(r00_ref, r01_ref, r10_ref, r11_ref, g2_ref, b2_ref,
                   s1_ref, s2_ref, f00_ref, f01_ref, f10_ref, f11_ref):
    mean = s1_ref[...] / NPIX
    var = s2_ref[...] / NPIX - mean * mean
    scale = g2_ref[...] * jax.lax.rsqrt(var + BN_EPS)
    shift = b2_ref[...] - mean * scale
    f00_ref[...] = jnp.tanh(r00_ref[...] * scale + shift)
    f01_ref[...] = jnp.tanh(r01_ref[...] * scale + shift)
    f10_ref[...] = jnp.tanh(r10_ref[...] * scale + shift)
    f11_ref[...] = jnp.tanh(r11_ref[...] * scale + shift)


def _full(shape):
    n = len(shape)
    return pl.BlockSpec(shape, lambda i: (0,) * n)


def _make_sc_gather():
    nc, ns = 2, 16
    mesh = plsc.VectorSubcoreMesh(core_axis_name="c", subcore_axis_name="s")

    @functools.partial(
        pl.kernel, mesh=mesh,
        out_type=jax.ShapeDtypeStruct((NTOK, 128), jnp.float32),
        scratch_types=[
            pltpu.VMEM((1568,), jnp.int32),
            pltpu.VMEM((784, 128), jnp.float32),
            pltpu.SemaphoreType.DMA,
        ],
    )
    def gather(cb_hbm, idx_hbm, out_hbm, idx_v, rows_v, sem):
        wid = lax.axis_index("s") * nc + lax.axis_index("c")
        base = wid * 1568
        pltpu.sync_copy(idx_hbm.at[pl.ds(base, 1568)], idx_v)
        for h in range(2):
            cps = [
                pltpu.async_copy(
                    cb_hbm.at[idx_v.at[pl.ds((h * 7 + c) * 112, 112)]],
                    rows_v.at[pl.ds(c * 112, 112)], sem)
                for c in range(7)
            ]
            for cp in cps:
                cp.wait()
            pltpu.sync_copy(rows_v, out_hbm.at[pl.ds(base + h * 784, 784)])

    return gather


def kernel(x, conv1_w, conv1_b, bn1_g, bn1_b, codebook,
           conv2_w, conv2_b, bn2_g, bn2_b):
    f32 = jnp.float32
    xt = jnp.transpose(x, (0, 2, 3, 1))
    xw = jnp.pad(xt, ((0, 0), (0, 0), (1, 1), (0, 0)))
    xsh = jnp.concatenate([xw[:, :, kx:kx + 224, :]
                           for kx in range(3)], axis=3)
    xsh = jnp.pad(xsh, ((0, 0), (1, 15), (0, 0), (0, 0)))
    w1 = jnp.transpose(conv1_w, (2, 3, 1, 0)).reshape(27, DM)
    wp = jnp.pad(jnp.transpose(conv2_w, (1, 2, 3, 0)),
                 ((0, 0), (0, 0), (0, 0), (0, 1)))
    groups = {(0, 0): (0,), (0, 1): (1, 2), (1, 0): (0, 1), (1, 1): (2,)}
    w2 = jnp.stack([
        jnp.stack([
            jnp.stack([
                jnp.stack([
                    sum(wp[:, ky, kx] for ky in groups[py, ia]
                        for kx in groups[px, ja])
                    for ja in range(2)])
                for ia in range(2)])
            for px in range(2)])
        for py in range(2)])
    cbt = codebook.T
    g1 = bn1_g.reshape(1, DM)
    b1 = bn1_b.reshape(1, DM)
    g2 = jnp.pad(bn2_g, (0, 1)).reshape(1, 4)
    b2 = jnp.pad(bn2_b, (0, 1)).reshape(1, 4)
    grid = (56,)
    params = pltpu.CompilerParams(dimension_semantics=("arbitrary",))

    xablock = pl.BlockSpec((1, 16, 224, 9), lambda i: (i // 14, i % 14, 0, 0))
    xbblock = pl.BlockSpec((1, 16, 224, 9),
                           lambda i: (i // 14, i % 14 + 1, 0, 0))
    s1, s2 = pl.pallas_call(
        _stats1_kernel,
        grid=grid,
        in_specs=[xablock, xbblock, _full(w1.shape)],
        out_specs=[_full((1, DM)), _full((1, DM))],
        out_shape=[jax.ShapeDtypeStruct((1, DM), f32)] * 2,
        compiler_params=params,
    )(xsh, xsh, w1)

    idx, loss = pl.pallas_call(
        _encode_kernel,
        grid=grid,
        in_specs=[xablock, xbblock, _full(w1.shape), _full((1, DM)),
                  _full((1, DM)), _full((1, DM)), _full((1, DM)),
                  _full(cbt.shape)],
        out_specs=[
            pl.BlockSpec((1, 1, 896), lambda i: (i, 0, 0)),
            _full((1, 1)),
        ],
        out_shape=[
            jax.ShapeDtypeStruct((56, 1, 896), jnp.int32),
            jax.ShapeDtypeStruct((1, 1), f32),
        ],
        compiler_params=params,
    )(xsh, xsh, w1, g1, b1, s1, s2, cbt)

    indices = idx.reshape(4, 112, 112)
    commit_loss = loss[0, 0] / (NTOK * DM)
    cb128 = jnp.pad(codebook, ((0, 0), (0, 128 - DM)))
    quant = _make_sc_gather()(cb128, idx.reshape(NTOK))[:, :DM]
    qrows = quant.reshape(56, 8, 112, DM)

    qblk = pl.BlockSpec((1, 8, 112, DM), lambda i: (i, 0, 0, 0))
    qprev = pl.BlockSpec((1, 8, 112, DM),
                         lambda i: (jnp.maximum(i - 1, 0), 0, 0, 0))
    qnext = pl.BlockSpec((1, 8, 112, DM),
                         lambda i: (jnp.minimum(i + 1, 55), 0, 0, 0))
    pblk = pl.BlockSpec((1, 8, 112, 4), lambda i: (i // 14, i % 14, 0, 0))
    pshape = jax.ShapeDtypeStruct((4, 112, 112, 4), f32)

    r00, r01, r10, r11, t1, t2 = pl.pallas_call(
        _decode_kernel,
        grid=grid,
        in_specs=[qblk, qprev, qnext, _full(w2.shape)],
        out_specs=[pblk, pblk, pblk, pblk, _full((1, 4)), _full((1, 4))],
        out_shape=[pshape, pshape, pshape, pshape,
                   jax.ShapeDtypeStruct((1, 4), f32),
                   jax.ShapeDtypeStruct((1, 4), f32)],
        compiler_params=params,
    )(qrows, qrows, qrows, w2)

    f00, f01, f10, f11 = pl.pallas_call(
        _finish_kernel,
        grid=grid,
        in_specs=[pblk, pblk, pblk, pblk,
                  _full((1, 4)), _full((1, 4)), _full((1, 4)), _full((1, 4))],
        out_specs=[pblk, pblk, pblk, pblk],
        out_shape=[pshape, pshape, pshape, pshape],
        compiler_params=params,
    )(r00, r01, r10, r11, g2, b2, t1, t2)

    pp = jnp.stack([f00, f01, f10, f11]).reshape(2, 2, 4, 112, 112, 4)[..., :3]
    out = jnp.transpose(pp, (2, 5, 3, 0, 4, 1)).reshape(4, 3, 224, 224)
    return out, indices, commit_loss

# --- scband reference (transcript-rebuilt; emitter-appended) ---
"""Pipeline reference for scband-vqvae-43482248904799 (READ-ONLY COPY).

The authoritative reference and input builder live on the scoring server;
editing this copy changes nothing except your own understanding.
"""

import jax, jax.numpy as jnp
import numpy as np

D_MODEL = 64
CODEBOOK_SIZE = 1024
COMMITMENT_WEIGHT = 1.0
BN_EPS = 1e-5

def setup_inputs(seed: int = 0):
    key = jax.random.key(seed)
    ks = jax.random.split(key, 8)
    B, H, W = 4, 224, 224
    x = jax.random.normal(ks[0], (B, 3, H, W), dtype=jnp.float32)
    conv1_w = jax.random.normal(ks[1], (D_MODEL, 3, 3, 3), dtype=jnp.float32) * 0.1
    conv1_b = jnp.zeros((D_MODEL,), dtype=jnp.float32)
    bn1_g = jnp.ones((D_MODEL,), dtype=jnp.float32)
    bn1_b = jnp.zeros((D_MODEL,), dtype=jnp.float32)
    codebook = jax.random.normal(ks[2], (CODEBOOK_SIZE, D_MODEL), dtype=jnp.float32)
    conv2_w = jax.random.normal(ks[3], (3, D_MODEL, 3, 3), dtype=jnp.float32) * 0.05
    conv2_b = jnp.zeros((3,), dtype=jnp.float32)
    bn2_g = jnp.ones((3,), dtype=jnp.float32)
    bn2_b = jnp.zeros((3,), dtype=jnp.float32)
    return {'x': x, 'conv1_w': conv1_w, 'conv1_b': conv1_b, 'bn1_g': bn1_g, 'bn1_b': bn1_b, 'codebook': codebook, 'conv2_w': conv2_w, 'conv2_b': conv2_b, 'bn2_g': bn2_g, 'bn2_b': bn2_b}

def _batchnorm(h, g, b):
    mean = jnp.mean(h, axis=(0, 2, 3), keepdims=True)
    var = jnp.var(h, axis=(0, 2, 3), keepdims=True)
    hn = (h - mean) / jnp.sqrt(var + BN_EPS)
    return hn * g.reshape(1, -1, 1, 1) + b.reshape(1, -1, 1, 1)

def _forward(x, conv1_w, conv1_b, bn1_g, bn1_b, codebook, conv2_w, conv2_b, bn2_g, bn2_b):
    h = jax.lax.conv_general_dilated(x, conv1_w, window_strides=(1, 1), padding='SAME', dimension_numbers=('NCHW', 'OIHW', 'NCHW'))
    h = h + conv1_b.reshape(1, -1, 1, 1)
    h = _batchnorm(h, bn1_g, bn1_b)
    h = jax.nn.relu(h)
    h = jax.lax.reduce_window(h, -jnp.inf, jax.lax.max, (1, 1, 2, 2), (1, 1, 2, 2), 'VALID')
    B, d, Hh, Ww = h.shape
    flat = jnp.transpose(h, (0, 2, 3, 1)).reshape(-1, d)
    dist = jnp.sum(flat * flat, axis=1, keepdims=True) - 2.0 * (flat @ codebook.T) + jnp.sum(codebook * codebook, axis=1)[None, :]
    idx = jnp.argmin(dist, axis=1)
    quant = jnp.take(codebook, idx, axis=0)
    commit_loss = jnp.mean((jax.lax.stop_gradient(quant) - flat) ** 2) * COMMITMENT_WEIGHT
    quant_st = flat + jax.lax.stop_gradient(quant - flat)
    q = jnp.transpose(quant_st.reshape(B, Hh, Ww, d), (0, 3, 1, 2))
    up = jnp.repeat(jnp.repeat(q, 2, axis=2), 2, axis=3)
    out = jax.lax.conv_general_dilated(up, conv2_w, window_strides=(1, 1), padding='SAME', dimension_numbers=('NCHW', 'OIHW', 'NCHW'))
    out = out + conv2_b.reshape(1, -1, 1, 1)
    out = _batchnorm(out, bn2_g, bn2_b)
    out = jnp.tanh(out)
    indices = idx.reshape(B, Hh, Ww)
    return out, indices, commit_loss

def reference(x, conv1_w, conv1_b, bn1_g, bn1_b, codebook, conv2_w, conv2_b, bn2_g, bn2_b):
    return _forward(x, conv1_w, conv1_b, bn1_g, bn1_b, codebook, conv2_w, conv2_b, bn2_g, bn2_b)

if __name__ == "__main__":
    import jax
    _d = setup_inputs()
    print(jax.jit(kernel)(*tuple(_d.values())))

</pallas_src>

<mosaic_0001>
#map = affine_map<(d0, d1) -> (0, 0)>
#map1 = affine_map<(d0, d1) -> (0)>
module attributes {stable_mosaic.version = 14 : i64} {
  func.func @gather(%arg0: i32, %arg1: i32, %arg2: memref<1024x128xf32, #tpu.memory_space<hbm>>, %arg3: memref<50176xi32, #tpu.memory_space<hbm>>, %arg4: memref<50176x128xf32, #tpu.memory_space<hbm>>, %arg5: memref<1568xi32, #tpu.memory_space<vmem>>, %arg6: memref<784x128xf32, #tpu.memory_space<vmem>>, %arg7: memref<!tpu.dma_semaphore, #tpu.memory_space<semaphore_mem>>) attributes {dimension_semantics = [#tpu.dimension_semantics<core_parallel>, #tpu.dimension_semantics<subcore_parallel>], iteration_bounds = array<i64: 2, 16>, scalar_prefetch = 0 : i64, scratch_operands = 3 : i64, tpu.core_type = #tpu.core_type<sc_vector_subcore>, window_params = [{transform_indices = #map}, {transform_indices = #map1}, {transform_indices = #map}]} {
    %mul3A = arith.constant 2 : i32
    %mul3A_0 = arith.muli %arg1, %mul3A : i32
    %add3A = arith.addi %mul3A_0, %arg0 : i32
    %mul3A_1 = arith.constant 1568 : i32
    %mul3A_2 = arith.muli %add3A, %mul3A_1 : i32
    "tpu.region"() ({
      %run_scoped3A = tpu.sem_alloc : memref<!tpu.dma_semaphore, #tpu.memory_space<semaphore_mem>>
      %dma_start3A_229 = tpu.memref_slice %arg3[%mul3A_2] : memref<50176xi32, #tpu.memory_space<hbm>> -> memref<1568xi32, #tpu.memory_space<hbm>>
      %dma_start3A_230 = tpu.memref_slice %arg3[%mul3A_2] : memref<50176xi32, #tpu.memory_space<hbm>> -> memref<1568xi32, #tpu.memory_space<hbm>>
      tpu.enqueue_dma source(%dma_start3A_230 : memref<1568xi32, #tpu.memory_space<hbm>>) target(%arg5 : memref<1568xi32, #tpu.memory_space<vmem>>) target_semaphore(%run_scoped3A : memref<!tpu.dma_semaphore, #tpu.memory_space<semaphore_mem>>)
      %dma_wait3A_231 = tpu.memref_slice %arg3[%mul3A_2] : memref<50176xi32, #tpu.memory_space<hbm>> -> memref<1568xi32, #tpu.memory_space<hbm>>
      %dma_wait3A_232 = tpu.memref_slice %arg3[%mul3A_2] : memref<50176xi32, #tpu.memory_space<hbm>> -> memref<1568xi32, #tpu.memory_space<hbm>>
      tpu.wait_dma2 semaphore(%run_scoped3A : memref<!tpu.dma_semaphore, #tpu.memory_space<semaphore_mem>>) src(%dma_wait3A_232 : memref<1568xi32, #tpu.memory_space<hbm>>) dst(%arg5 : memref<1568xi32, #tpu.memory_space<vmem>>)
      tpu.yield
    }) : () -> ()
    %dma_start3A = arith.constant 0 : i32
    %dma_start3A_3 = arith.constant 0 : i32
    %dma_start3A_4 = tpu.memref_slice %arg6[%dma_start3A, %dma_start3A_3] : memref<784x128xf32, #tpu.memory_space<vmem>> -> memref<112x128xf32, #tpu.memory_space<vmem>>
    %dma_start3A_5 = arith.constant 0 : i32
    %dma_start3A_6 = tpu.memref_slice %arg5[%dma_start3A_5] : memref<1568xi32, #tpu.memory_space<vmem>> -> memref<112xi32, #tpu.memory_space<vmem>>
    %dma_start3A_7 = arith.constant 0 : i32
    %dma_start3A_8 = arith.constant 0 : i32
    %dma_start3A_9 = tpu.memref_slice %arg2[%dma_start3A_7, %dma_start3A_8] : memref<1024x128xf32, #tpu.memory_space<hbm>> -> memref<1024x128xf32, #tpu.memory_space<hbm>>
    tpu.enqueue_indirect_dma source(%dma_start3A_9 : memref<1024x128xf32, #tpu.memory_space<hbm>>) target(%dma_start3A_4 : memref<112x128xf32, #tpu.memory_space<vmem>>) offsets(%dma_start3A_6 : memref<112xi32, #tpu.memory_space<vmem>>) semaphore(%arg7 : memref<!tpu.dma_semaphore, #tpu.memory_space<semaphore_mem>>)
    %dma_start3A_10 = arith.constant 112 : i32
    %dma_start3A_11 = arith.constant 0 : i32
    %dma_start3A_12 = tpu.memref_slice %arg6[%dma_start3A_10, %dma_start3A_11] : memref<784x128xf32, #tpu.memory_space<vmem>> -> memref<112x128xf32, #tpu.memory_space<vmem>>
    %dma_start3A_13 = arith.constant 112 : i32
    %dma_start3A_14 = tpu.memref_slice %arg5[%dma_start3A_13] : memref<1568xi32, #tpu.memory_space<vmem>> -> memref<112xi32, #tpu.memory_space<vmem>>
    %dma_start3A_15 = arith.constant 0 : i32
    %dma_start3A_16 = arith.constant 0 : i32
    %dma_start3A_17 = tpu.memref_slice %arg2[%dma_start3A_15, %dma_start3A_16] : memref<1024x128xf32, #tpu.memory_space<hbm>> -> memref<1024x128xf32, #tpu.memory_space<hbm>>
    tpu.enqueue_indirect_dma source(%dma_start3A_17 : memref<1024x128xf32, #tpu.memory_space<hbm>>) target(%dma_start3A_12 : memref<112x128xf32, #tpu.memory_space<vmem>>) offsets(%dma_start3A_14 : memref<112xi32, #tpu.memory_space<vmem>>) semaphore(%arg7 : memref<!tpu.dma_semaphore, #tpu.memory_space<semaphore_mem>>)
    %dma_start3A_18 = arith.constant 224 : i32
    %dma_start3A_19 = arith.constant 0 : i32
    %dma_start3A_20 = tpu.memref_slice %arg6[%dma_start3A_18, %dma_start3A_19] : memref<784x128xf32, #tpu.memory_space<vmem>> -> memref<112x128xf32, #tpu.memory_space<vmem>>
    %dma_start3A_21 = arith.constant 224 : i32
    %dma_start3A_22 = tpu.memref_slice %arg5[%dma_start3A_21] : memref<1568xi32, #tpu.memory_space<vmem>> -> memref<112xi32, #tpu.memory_space<vmem>>
    %dma_start3A_23 = arith.constant 0 : i32
    %dma_start3A_24 = arith.constant 0 : i32
    %dma_start3A_25 = tpu.memref_slice %arg2[%dma_start3A_23, %dma_start3A_24] : memref<1024x128xf32, #tpu.memory_space<hbm>> -> memref<1024x128xf32, #tpu.memory_space<hbm>>
    tpu.enqueue_indirect_dma source(%dma_start3A_25 : memref<1024x128xf32, #tpu.memory_space<hbm>>) target(%dma_start3A_20 : memref<112x128xf32, #tpu.memory_space<vmem>>) offsets(%dma_start3A_22 : memref<112xi32, #tpu.memory_space<vmem>>) semaphore(%arg7 : memref<!tpu.dma_semaphore, #tpu.memory_space<semaphore_mem>>)
    %dma_start3A_26 = arith.constant 336 : i32
    %dma_start3A_27 = arith.constant 0 : i32
    %dma_start3A_28 = tpu.memref_slice %arg6[%dma_start3A_26, %dma_start3A_27] : memref<784x128xf32, #tpu.memory_space<vmem>> -> memref<112x128xf32, #tpu.memory_space<vmem>>
    %dma_start3A_29 = arith.constant 336 : i32
    %dma_start3A_30 = tpu.memref_slice %arg5[%dma_start3A_29] : memref<1568xi32, #tpu.memory_space<vmem>> -> memref<112xi32, #tpu.memory_space<vmem>>
    %dma_start3A_31 = arith.constant 0 : i32
    %dma_start3A_32 = arith.constant 0 : i32
    %dma_start3A_33 = tpu.memref_slice %arg2[%dma_start3A_31, %dma_start3A_32] : memref<1024x128xf32, #tpu.memory_space<hbm>> -> memref<1024x128xf32, #tpu.memory_space<hbm>>
    tpu.enqueue_indirect_dma source(%dma_start3A_33 : memref<1024x128xf32, #tpu.memory_space<hbm>>) target(%dma_start3A_28 : memref<112x128xf32, #tpu.memory_space<vmem>>) offsets(%dma_start3A_30 : memref<112xi32, #tpu.memory_space<vmem>>) semaphore(%arg7 : memref<!tpu.dma_semaphore, #tpu.memory_space<semaphore_mem>>)
    %dma_start3A_34 = arith.constant 448 : i32
    %dma_start3A_35 = arith.constant 0 : i32
    %dma_start3A_36 = tpu.memref_slice %arg6[%dma_start3A_34, %dma_start3A_35] : memref<784x128xf32, #tpu.memory_space<vmem>> -> memref<112x128xf32, #tpu.memory_space<vmem>>
    %dma_start3A_37 = arith.constant 448 : i32
    %dma_start3A_38 = tpu.memref_slice %arg5[%dma_start3A_37] : memref<1568xi32, #tpu.memory_space<vmem>> -> memref<112xi32, #tpu.memory_space<vmem>>
    %dma_start3A_39 = arith.constant 0 : i32
    %dma_start3A_40 = arith.constant 0 : i32
    %dma_start3A_41 = tpu.memref_slice %arg2[%dma_start3A_39, %dma_start3A_40] : memref<1024x128xf32, #tpu.memory_space<hbm>> -> memref<1024x128xf32, #tpu.memory_space<hbm>>
    tpu.enqueue_indirect_dma source(%dma_start3A_41 : memref<1024x128xf32, #tpu.memory_space<hbm>>) target(%dma_start3A_36 : memref<112x128xf32, #tpu.memory_space<vmem>>) offsets(%dma_start3A_38 : memref<112xi32, #tpu.memory_space<vmem>>) semaphore(%arg7 : memref<!tpu.dma_semaphore, #tpu.memory_space<semaphore_mem>>)
    %dma_start3A_42 = arith.constant 560 : i32
    %dma_start3A_43 = arith.constant 0 : i32
    %dma_start3A_44 = tpu.memref_slice %arg6[%dma_start3A_42, %dma_start3A_43] : memref<784x128xf32, #tpu.memory_space<vmem>> -> memref<112x128xf32, #tpu.memory_space<vmem>>
    %dma_start3A_45 = arith.constant 560 : i32
    %dma_start3A_46 = tpu.memref_slice %arg5[%dma_start3A_45] : memref<1568xi32, #tpu.memory_space<vmem>> -> memref<112xi32, #tpu.memory_space<vmem>>
    %dma_start3A_47 = arith.constant 0 : i32
    %dma_start3A_48 = arith.constant 0 : i32
    %dma_start3A_49 = tpu.memref_slice %arg2[%dma_start3A_47, %dma_start3A_48] : memref<1024x128xf32, #tpu.memory_space<hbm>> -> memref<1024x128xf32, #tpu.memory_space<hbm>>
    tpu.enqueue_indirect_dma source(%dma_start3A_49 : memref<1024x128xf32, #tpu.memory_space<hbm>>) target(%dma_start3A_44 : memref<112x128xf32, #tpu.memory_space<vmem>>) offsets(%dma_start3A_46 : memref<112xi32, #tpu.memory_space<vmem>>) semaphore(%arg7 : memref<!tpu.dma_semaphore, #tpu.memory_space<semaphore_mem>>)
    %dma_start3A_50 = arith.constant 672 : i32
    %dma_start3A_51 = arith.constant 0 : i32
    %dma_start3A_52 = tpu.memref_slice %arg6[%dma_start3A_50, %dma_start3A_51] : memref<784x128xf32, #tpu.memory_space<vmem>> -> memref<112x128xf32, #tpu.memory_space<vmem>>
    %dma_start3A_53 = arith.constant 672 : i32
    %dma_start3A_54 = tpu.memref_slice %arg5[%dma_start3A_53] : memref<1568xi32, #tpu.memory_space<vmem>> -> memref<112xi32, #tpu.memory_space<vmem>>
    %dma_start3A_55 = arith.constant 0 : i32
    %dma_start3A_56 = arith.constant 0 : i32
    %dma_start3A_57 = tpu.memref_slice %arg2[%dma_start3A_55, %dma_start3A_56] : memref<1024x128xf32, #tpu.memory_space<hbm>> -> memref<1024x128xf32, #tpu.memory_space<hbm>>
    tpu.enqueue_indirect_dma source(%dma_start3A_57 : memref<1024x128xf32, #tpu.memory_space<hbm>>) target(%dma_start3A_52 : memref<112x128xf32, #tpu.memory_space<vmem>>) offsets(%dma_start3A_54 : memref<112xi32, #tpu.memory_space<vmem>>) semaphore(%arg7 : memref<!tpu.dma_semaphore, #tpu.memory_space<semaphore_mem>>)
    %dma_wait3A = arith.constant 0 : i32
    %dma_wait3A_58 = arith.constant 0 : i32
    %dma_wait3A_59 = tpu.memref_slice %arg6[%dma_wait3A, %dma_wait3A_58] : memref<784x128xf32, #tpu.memory_space<vmem>> -> memref<112x128xf32, #tpu.memory_space<vmem>>
    %dma_wait3A_60 = arith.constant 0 : i32
    %dma_wait3A_61 = tpu.memref_slice %arg5[%dma_wait3A_60] : memref<1568xi32, #tpu.memory_space<vmem>> -> memref<112xi32, #tpu.memory_space<vmem>>
    %dma_wait3A_62 = arith.constant 0 : i32
    %dma_wait3A_63 = arith.constant 0 : i32
    %dma_wait3A_64 = tpu.memref_slice %arg2[%dma_wait3A_62, %dma_wait3A_63] : memref<1024x128xf32, #tpu.memory_space<hbm>> -> memref<1024x128xf32, #tpu.memory_space<hbm>>
    tpu.wait_indirect_dma semaphore(%arg7 : memref<!tpu.dma_semaphore, #tpu.memory_space<semaphore_mem>>) src(%dma_wait3A_64 : memref<1024x128xf32, #tpu.memory_space<hbm>>) dst(%dma_wait3A_59 : memref<112x128xf32, #tpu.memory_space<vmem>>)
    %dma_wait3A_65 = arith.constant 112 : i32
    %dma_wait3A_66 = arith.constant 0 : i32
    %dma_wait3A_67 = tpu.memref_slice %arg6[%dma_wait3A_65, %dma_wait3A_66] : memref<784x128xf32, #tpu.memory_space<vmem>> -> memref<112x128xf32, #tpu.memory_space<vmem>>
    %dma_wait3A_68 = arith.constant 112 : i32
    %dma_wait3A_69 = tpu.memref_slice %arg5[%dma_wait3A_68] : memref<1568xi32, #tpu.memory_space<vmem>> -> memref<112xi32, #tpu.memory_space<vmem>>
    %dma_wait3A_70 = arith.constant 0 : i32
    %dma_wait3A_71 = arith.constant 0 : i32
    %dma_wait3A_72 = tpu.memref_slice %arg2[%dma_wait3A_70, %dma_wait3A_71] : memref<1024x128xf32, #tpu.memory_space<hbm>> -> memref<1024x128xf32, #tpu.memory_space<hbm>>
    tpu.wait_indirect_dma semaphore(%arg7 : memref<!tpu.dma_semaphore, #tpu.memory_space<semaphore_mem>>) src(%dma_wait3A_72 : memref<1024x128xf32, #tpu.memory_space<hbm>>) dst(%dma_wait3A_67 : memref<112x128xf32, #tpu.memory_space<vmem>>)
    %dma_wait3A_73 = arith.constant 224 : i32
    %dma_wait3A_74 = arith.constant 0 : i32
    %dma_wait3A_75 = tpu.memref_slice %arg6[%dma_wait3A_73, %dma_wait3A_74] : memref<784x128xf32, #tpu.memory_space<vmem>> -> memref<112x128xf32, #tpu.memory_space<vmem>>
    %dma_wait3A_76 = arith.constant 224 : i32
    %dma_wait3A_77 = tpu.memref_slice %arg5[%dma_wait3A_76] : memref<1568xi32, #tpu.memory_space<vmem>> -> memref<112xi32, #tpu.memory_space<vmem>>
    %dma_wait3A_78 = arith.constant 0 : i32
    %dma_wait3A_79 = arith.constant 0 : i32
    %dma_wait3A_80 = tpu.memref_slice %arg2[%dma_wait3A_78, %dma_wait3A_79] : memref<1024x128xf32, #tpu.memory_space<hbm>> -> memref<1024x128xf32, #tpu.memory_space<hbm>>
    tpu.wait_indirect_dma semaphore(%arg7 : memref<!tpu.dma_semaphore, #tpu.memory_space<semaphore_mem>>) src(%dma_wait3A_80 : memref<1024x128xf32, #tpu.memory_space<hbm>>) dst(%dma_wait3A_75 : memref<112x128xf32, #tpu.memory_space<vmem>>)
    %dma_wait3A_81 = arith.constant 336 : i32
    %dma_wait3A_82 = arith.constant 0 : i32
    %dma_wait3A_83 = tpu.memref_slice %arg6[%dma_wait3A_81, %dma_wait3A_82] : memref<784x128xf32, #tpu.memory_space<vmem>> -> memref<112x128xf32, #tpu.memory_space<vmem>>
    %dma_wait3A_84 = arith.constant 336 : i32
    %dma_wait3A_85 = tpu.memref_slice %arg5[%dma_wait3A_84] : memref<1568xi32, #tpu.memory_space<vmem>> -> memref<112xi32, #tpu.memory_space<vmem>>
    %dma_wait3A_86 = arith.constant 0 : i32
    %dma_wait3A_87 = arith.constant 0 : i32
    %dma_wait3A_88 = tpu.memref_slice %arg2[%dma_wait3A_86, %dma_wait3A_87] : memref<1024x128xf32, #tpu.memory_space<hbm>> -> memref<1024x128xf32, #tpu.memory_space<hbm>>
    tpu.wait_indirect_dma semaphore(%arg7 : memref<!tpu.dma_semaphore, #tpu.memory_space<semaphore_mem>>) src(%dma_wait3A_88 : memref<1024x128xf32, #tpu.memory_space<hbm>>) dst(%dma_wait3A_83 : memref<112x128xf32, #tpu.memory_space<vmem>>)
    %dma_wait3A_89 = arith.constant 448 : i32
    %dma_wait3A_90 = arith.constant 0 : i32
    %dma_wait3A_91 = tpu.memref_slice %arg6[%dma_wait3A_89, %dma_wait3A_90] : memref<784x128xf32, #tpu.memory_space<vmem>> -> memref<112x128xf32, #tpu.memory_space<vmem>>
    %dma_wait3A_92 = arith.constant 448 : i32
    %dma_wait3A_93 = tpu.memref_slice %arg5[%dma_wait3A_92] : memref<1568xi32, #tpu.memory_space<vmem>> -> memref<112xi32, #tpu.memory_space<vmem>>
    %dma_wait3A_94 = arith.constant 0 : i32
    %dma_wait3A_95 = arith.constant 0 : i32
    %dma_wait3A_96 = tpu.memref_slice %arg2[%dma_wait3A_94, %dma_wait3A_95] : memref<1024x128xf32, #tpu.memory_space<hbm>> -> memref<1024x128xf32, #tpu.memory_space<hbm>>
    tpu.wait_indirect_dma semaphore(%arg7 : memref<!tpu.dma_semaphore, #tpu.memory_space<semaphore_mem>>) src(%dma_wait3A_96 : memref<1024x128xf32, #tpu.memory_space<hbm>>) dst(%dma_wait3A_91 : memref<112x128xf32, #tpu.memory_space<vmem>>)
    %dma_wait3A_97 = arith.constant 560 : i32
    %dma_wait3A_98 = arith.constant 0 : i32
    %dma_wait3A_99 = tpu.memref_slice %arg6[%dma_wait3A_97, %dma_wait3A_98] : memref<784x128xf32, #tpu.memory_space<vmem>> -> memref<112x128xf32, #tpu.memory_space<vmem>>
    %dma_wait3A_100 = arith.constant 560 : i32
    %dma_wait3A_101 = tpu.memref_slice %arg5[%dma_wait3A_100] : memref<1568xi32, #tpu.memory_space<vmem>> -> memref<112xi32, #tpu.memory_space<vmem>>
    %dma_wait3A_102 = arith.constant 0 : i32
    %dma_wait3A_103 = arith.constant 0 : i32
    %dma_wait3A_104 = tpu.memref_slice %arg2[%dma_wait3A_102, %dma_wait3A_103] : memref<1024x128xf32, #tpu.memory_space<hbm>> -> memref<1024x128xf32, #tpu.memory_space<hbm>>
    tpu.wait_indirect_dma semaphore(%arg7 : memref<!tpu.dma_semaphore, #tpu.memory_space<semaphore_mem>>) src(%dma_wait3A_104 : memref<1024x128xf32, #tpu.memory_space<hbm>>) dst(%dma_wait3A_99 : memref<112x128xf32, #tpu.memory_space<vmem>>)
    %dma_wait3A_105 = arith.constant 672 : i32
    %dma_wait3A_106 = arith.constant 0 : i32
    %dma_wait3A_107 = tpu.memref_slice %arg6[%dma_wait3A_105, %dma_wait3A_106] : memref<784x128xf32, #tpu.memory_space<vmem>> -> memref<112x128xf32, #tpu.memory_space<vmem>>
    %dma_wait3A_108 = arith.constant 672 : i32
    %dma_wait3A_109 = tpu.memref_slice %arg5[%dma_wait3A_108] : memref<1568xi32, #tpu.memory_space<vmem>> -> memref<112xi32, #tpu.memory_space<vmem>>
    %dma_wait3A_110 = arith.constant 0 : i32
    %dma_wait3A_111 = arith.constant 0 : i32
    %dma_wait3A_112 = tpu.memref_slice %arg2[%dma_wait3A_110, %dma_wait3A_111] : memref<1024x128xf32, #tpu.memory_space<hbm>> -> memref<1024x128xf32, #tpu.memory_space<hbm>>
    tpu.wait_indirect_dma semaphore(%arg7 : memref<!tpu.dma_semaphore, #tpu.memory_space<semaphore_mem>>) src(%dma_wait3A_112 : memref<1024x128xf32, #tpu.memory_space<hbm>>) dst(%dma_wait3A_107 : memref<112x128xf32, #tpu.memory_space<vmem>>)
    %add3A_113 = arith.constant 0 : i32
    %add3A_114 = arith.addi %mul3A_2, %add3A_113 : i32
    "tpu.region"() ({
      %run_scoped3A = tpu.sem_alloc : memref<!tpu.dma_semaphore, #tpu.memory_space<semaphore_mem>>
      %dma_start3A_229 = arith.constant 0 : i32
      %dma_start3A_230 = tpu.memref_slice %arg4[%add3A_114, %dma_start3A_229] : memref<50176x128xf32, #tpu.memory_space<hbm>> -> memref<784x128xf32, #tpu.memory_space<hbm>>
      %dma_start3A_231 = arith.constant 0 : i32
      %dma_start3A_232 = tpu.memref_slice %arg4[%add3A_114, %dma_start3A_231] : memref<50176x128xf32, #tpu.memory_space<hbm>> -> memref<784x128xf32, #tpu.memory_space<hbm>>
      tpu.enqueue_dma source(%arg6 : memref<784x128xf32, #tpu.memory_space<vmem>>) target(%dma_start3A_232 : memref<784x128xf32, #tpu.memory_space<hbm>>) target_semaphore(%run_scoped3A : memref<!tpu.dma_semaphore, #tpu.memory_space<semaphore_mem>>)
      %dma_wait3A_233 = arith.constant 0 : i32
      %dma_wait3A_234 = tpu.memref_slice %arg4[%add3A_114, %dma_wait3A_233] : memref<50176x128xf32, #tpu.memory_space<hbm>> -> memref<784x128xf32, #tpu.memory_space<hbm>>
      %dma_wait3A_235 = arith.constant 0 : i32
      %dma_wait3A_236 = tpu.memref_slice %arg4[%add3A_114, %dma_wait3A_235] : memref<50176x128xf32, #tpu.memory_space<hbm>> -> memref<784x128xf32, #tpu.memory_space<hbm>>
      tpu.wait_dma2 semaphore(%run_scoped3A : memref<!tpu.dma_semaphore, #tpu.memory_space<semaphore_mem>>) src(%arg6 : memref<784x128xf32, #tpu.memory_space<vmem>>) dst(%dma_wait3A_236 : memref<784x128xf32, #tpu.memory_space<hbm>>)
      tpu.yield
    }) : () -> ()
    %dma_start3A_115 = arith.constant 0 : i32
    %dma_start3A_116 = arith.constant 0 : i32
    %dma_start3A_117 = tpu.memref_slice %arg6[%dma_start3A_115, %dma_start3A_116] : memref<784x128xf32, #tpu.memory_space<vmem>> -> memref<112x128xf32, #tpu.memory_space<vmem>>
    %dma_start3A_118 = arith.constant 784 : i32
    %dma_start3A_119 = tpu.memref_slice %arg5[%dma_start3A_118] : memref<1568xi32, #tpu.memory_space<vmem>> -> memref<112xi32, #tpu.memory_space<vmem>>
    %dma_start3A_120 = arith.constant 0 : i32
    %dma_start3A_121 = arith.constant 0 : i32
    %dma_start3A_122 = tpu.memref_slice %arg2[%dma_start3A_120, %dma_start3A_121] : memref<1024x128xf32, #tpu.memory_space<hbm>> -> memref<1024x128xf32, #tpu.memory_space<hbm>>
    tpu.enqueue_indirect_dma source(%dma_start3A_122 : memref<1024x128xf32, #tpu.memory_space<hbm>>) target(%dma_start3A_117 : memref<112x128xf32, #tpu.memory_space<vmem>>) offsets(%dma_start3A_119 : memref<112xi32, #tpu.memory_space<vmem>>) semaphore(%arg7 : memref<!tpu.dma_semaphore, #tpu.memory_space<semaphore_mem>>)
    %dma_start3A_123 = arith.constant 112 : i32
    %dma_start3A_124 = arith.constant 0 : i32
    %dma_start3A_125 = tpu.memref_slice %arg6[%dma_start3A_123, %dma_start3A_124] : memref<784x128xf32, #tpu.memory_space<vmem>> -> memref<112x128xf32, #tpu.memory_space<vmem>>
    %dma_start3A_126 = arith.constant 896 : i32
    %dma_start3A_127 = tpu.memref_slice %arg5[%dma_start3A_126] : memref<1568xi32, #tpu.memory_space<vmem>> -> memref<112xi32, #tpu.memory_space<vmem>>
    %dma_start3A_128 = arith.constant 0 : i32
    %dma_start3A_129 = arith.constant 0 : i32
    %dma_start3A_130 = tpu.memref_slice %arg2[%dma_start3A_128, %dma_start3A_129] : memref<1024x128xf32, #tpu.memory_space<hbm>> -> memref<1024x128xf32, #tpu.memory_space<hbm>>
    tpu.enqueue_indirect_dma source(%dma_start3A_130 : memref<1024x128xf32, #tpu.memory_space<hbm>>) target(%dma_start3A_125 : memref<112x128xf32, #tpu.memory_space<vmem>>) offsets(%dma_start3A_127 : memref<112xi32, #tpu.memory_space<vmem>>) semaphore(%arg7 : memref<!tpu.dma_semaphore, #tpu.memory_space<semaphore_mem>>)
    %dma_start3A_131 = arith.constant 224 : i32
    %dma_start3A_132 = arith.constant 0 : i32
    %dma_start3A_133 = tpu.memref_slice %arg6[%dma_start3A_131, %dma_start3A_132] : memref<784x128xf32, #tpu.memory_space<vmem>> -> memref<112x128xf32, #tpu.memory_space<vmem>>
    %dma_start3A_134 = arith.constant 1008 : i32
    %dma_start3A_135 = tpu.memref_slice %arg5[%dma_start3A_134] : memref<1568xi32, #tpu.memory_space<vmem>> -> memref<112xi32, #tpu.memory_space<vmem>>
    %dma_start3A_136 = arith.constant 0 : i32
    %dma_start3A_137 = arith.constant 0 : i32
    %dma_start3A_138 = tpu.memref_slice %arg2[%dma_start3A_136, %dma_start3A_137] : memref<1024x128xf32, #tpu.memory_space<hbm>> -> memref<1024x128xf32, #tpu.memory_space<hbm>>
    tpu.enqueue_indirect_dma source(%dma_start3A_138 : memref<1024x128xf32, #tpu.memory_space<hbm>>) target(%dma_start3A_133 : memref<112x128xf32, #tpu.memory_space<vmem>>) offsets(%dma_start3A_135 : memref<112xi32, #tpu.memory_space<vmem>>) semaphore(%arg7 : memref<!tpu.dma_semaphore, #tpu.memory_space<semaphore_mem>>)
    %dma_start3A_139 = arith.constant 336 : i32
    %dma_start3A_140 = arith.constant 0 : i32
    %dma_start3A_141 = tpu.memref_slice %arg6[%dma_start3A_139, %dma_start3A_140] : memref<784x128xf32, #tpu.memory_space<vmem>> -> memref<112x128xf32, #tpu.memory_space<vmem>>
    %dma_start3A_142 = arith.constant 1120 : i32
    %dma_start3A_143 = tpu.memref_slice %arg5[%dma_start3A_142] : memref<1568xi32, #tpu.memory_space<vmem>> -> memref<112xi32, #tpu.memory_space<vmem>>
    %dma_start3A_144 = arith.constant 0 : i32
    %dma_start3A_145 = arith.constant 0 : i32
    %dma_start3A_146 = tpu.memref_slice %arg2[%dma_start3A_144, %dma_start3A_145] : memref<1024x128xf32, #tpu.memory_space<hbm>> -> memref<1024x128xf32, #tpu.memory_space<hbm>>
    tpu.enqueue_indirect_dma source(%dma_start3A_146 : memref<1024x128xf32, #tpu.memory_space<hbm>>) target(%dma_start3A_141 : memref<112x128xf32, #tpu.memory_space<vmem>>) offsets(%dma_start3A_143 : memref<112xi32, #tpu.memory_space<vmem>>) semaphore(%arg7 : memref<!tpu.dma_semaphore, #tpu.memory_space<semaphore_mem>>)
    %dma_start3A_147 = arith.constant 448 : i32
    %dma_start3A_148 = arith.constant 0 : i32
    %dma_start3A_149 = tpu.memref_slice %arg6[%dma_start3A_147, %dma_start3A_148] : memref<784x128xf32, #tpu.memory_space<vmem>> -> memref<112x128xf32, #tpu.memory_space<vmem>>
    %dma_start3A_150 = arith.constant 1232 : i32
    %dma_start3A_151 = tpu.memref_slice %arg5[%dma_start3A_150] : memref<1568xi32, #tpu.memory_space<vmem>> -> memref<112xi32, #tpu.memory_space<vmem>>
    %dma_start3A_152 = arith.constant 0 : i32
    %dma_start3A_153 = arith.constant 0 : i32
    %dma_start3A_154 = tpu.memref_slice %arg2[%dma_start3A_152, %dma_start3A_153] : memref<1024x128xf32, #tpu.memory_space<hbm>> -> memref<1024x128xf32, #tpu.memory_space<hbm>>
    tpu.enqueue_indirect_dma source(%dma_start3A_154 : memref<1024x128xf32, #tpu.memory_space<hbm>>) target(%dma_start3A_149 : memref<112x128xf32, #tpu.memory_space<vmem>>) offsets(%dma_start3A_151 : memref<112xi32, #tpu.memory_space<vmem>>) semaphore(%arg7 : memref<!tpu.dma_semaphore, #tpu.memory_space<semaphore_mem>>)
    %dma_start3A_155 = arith.constant 560 : i32
    %dma_start3A_156 = arith.constant 0 : i32
    %dma_start3A_157 = tpu.memref_slice %arg6[%dma_start3A_155, %dma_start3A_156] : memref<784x128xf32, #tpu.memory_space<vmem>> -> memref<112x128xf32, #tpu.memory_space<vmem>>
    %dma_start3A_158 = arith.constant 1344 : i32
    %dma_start3A_159 = tpu.memref_slice %arg5[%dma_start3A_158] : memref<1568xi32, #tpu.memory_space<vmem>> -> memref<112xi32, #tpu.memory_space<vmem>>
    %dma_start3A_160 = arith.constant 0 : i32
    %dma_start3A_161 = arith.constant 0 : i32
    %dma_start3A_162 = tpu.memref_slice %arg2[%dma_start3A_160, %dma_start3A_161] : memref<1024x128xf32, #tpu.memory_space<hbm>> -> memref<1024x128xf32, #tpu.memory_space<hbm>>
    tpu.enqueue_indirect_dma source(%dma_start3A_162 : memref<1024x128xf32, #tpu.memory_space<hbm>>) target(%dma_start3A_157 : memref<112x128xf32, #tpu.memory_space<vmem>>) offsets(%dma_start3A_159 : memref<112xi32, #tpu.memory_space<vmem>>) semaphore(%arg7 : memref<!tpu.dma_semaphore, #tpu.memory_space<semaphore_mem>>)
    %dma_start3A_163 = arith.constant 672 : i32
    %dma_start3A_164 = arith.constant 0 : i32
    %dma_start3A_165 = tpu.memref_slice %arg6[%dma_start3A_163, %dma_start3A_164] : memref<784x128xf32, #tpu.memory_space<vmem>> -> memref<112x128xf32, #tpu.memory_space<vmem>>
    %dma_start3A_166 = arith.constant 1456 : i32
    %dma_start3A_167 = tpu.memref_slice %arg5[%dma_start3A_166] : memref<1568xi32, #tpu.memory_space<vmem>> -> memref<112xi32, #tpu.memory_space<vmem>>
    %dma_start3A_168 = arith.constant 0 : i32
    %dma_start3A_169 = arith.constant 0 : i32
    %dma_start3A_170 = tpu.memref_slice %arg2[%dma_start3A_168, %dma_start3A_169] : memref<1024x128xf32, #tpu.memory_space<hbm>> -> memref<1024x128xf32, #tpu.memory_space<hbm>>
    tpu.enqueue_indirect_dma source(%dma_start3A_170 : memref<1024x128xf32, #tpu.memory_space<hbm>>) target(%dma_start3A_165 : memref<112x128xf32, #tpu.memory_space<vmem>>) offsets(%dma_start3A_167 : memref<112xi32, #tpu.memory_space<vmem>>) semaphore(%arg7 : memref<!tpu.dma_semaphore, #tpu.memory_space<semaphore_mem>>)
    %dma_wait3A_171 = arith.constant 0 : i32
    %dma_wait3A_172 = arith.constant 0 : i32
    %dma_wait3A_173 = tpu.memref_slice %arg6[%dma_wait3A_171, %dma_wait3A_172] : memref<784x128xf32, #tpu.memory_space<vmem>> -> memref<112x128xf32, #tpu.memory_space<vmem>>
    %dma_wait3A_174 = arith.constant 784 : i32
    %dma_wait3A_175 = tpu.memref_slice %arg5[%dma_wait3A_174] : memref<1568xi32, #tpu.memory_space<vmem>> -> memref<112xi32, #tpu.memory_space<vmem>>
    %dma_wait3A_176 = arith.constant 0 : i32
    %dma_wait3A_177 = arith.constant 0 : i32
    %dma_wait3A_178 = tpu.memref_slice %arg2[%dma_wait3A_176, %dma_wait3A_177] : memref<1024x128xf32, #tpu.memory_space<hbm>> -> memref<1024x128xf32, #tpu.memory_space<hbm>>
    tpu.wait_indirect_dma semaphore(%arg7 : memref<!tpu.dma_semaphore, #tpu.memory_space<semaphore_mem>>) src(%dma_wait3A_178 : memref<1024x128xf32, #tpu.memory_space<hbm>>) dst(%dma_wait3A_173 : memref<112x128xf32, #tpu.memory_space<vmem>>)
    %dma_wait3A_179 = arith.constant 112 : i32
    %dma_wait3A_180 = arith.constant 0 : i32
    %dma_wait3A_181 = tpu.memref_slice %arg6[%dma_wait3A_179, %dma_wait3A_180] : memref<784x128xf32, #tpu.memory_space<vmem>> -> memref<112x128xf32, #tpu.memory_space<vmem>>
    %dma_wait3A_182 = arith.constant 896 : i32
    %dma_wait3A_183 = tpu.memref_slice %arg5[%dma_wait3A_182] : memref<1568xi32, #tpu.memory_space<vmem>> -> memref<112xi32, #tpu.memory_space<vmem>>
    %dma_wait3A_184 = arith.constant 0 : i32
    %dma_wait3A_185 = arith.constant 0 : i32
    %dma_wait3A_186 = tpu.memref_slice %arg2[%dma_wait3A_184, %dma_wait3A_185] : memref<1024x128xf32, #tpu.memory_space<hbm>> -> memref<1024x128xf32, #tpu.memory_space<hbm>>
    tpu.wait_indirect_dma semaphore(%arg7 : memref<!tpu.dma_semaphore, #tpu.memory_space<semaphore_mem>>) src(%dma_wait3A_186 : memref<1024x128xf32, #tpu.memory_space<hbm>>) dst(%dma_wait3A_181 : memref<112x128xf32, #tpu.memory_space<vmem>>)
    %dma_wait3A_187 = arith.constant 224 : i32
    %dma_wait3A_188 = arith.constant 0 : i32
    %dma_wait3A_189 = tpu.memref_slice %arg6[%dma_wait3A_187, %dma_wait3A_188] : memref<784x128xf32, #tpu.memory_space<vmem>> -> memref<112x128xf32, #tpu.memory_space<vmem>>
    %dma_wait3A_190 = arith.constant 1008 : i32
    %dma_wait3A_191 = tpu.memref_slice %arg5[%dma_wait3A_190] : memref<1568xi32, #tpu.memory_space<vmem>> -> memref<112xi32, #tpu.memory_space<vmem>>
    %dma_wait3A_192 = arith.constant 0 : i32
    %dma_wait3A_193 = arith.constant 0 : i32
    %dma_wait3A_194 = tpu.memref_slice %arg2[%dma_wait3A_192, %dma_wait3A_193] : memref<1024x128xf32, #tpu.memory_space<hbm>> -> memref<1024x128xf32, #tpu.memory_space<hbm>>
    tpu.wait_indirect_dma semaphore(%arg7 : memref<!tpu.dma_semaphore, #tpu.memory_space<semaphore_mem>>) src(%dma_wait3A_194 : memref<1024x128xf32, #tpu.memory_space<hbm>>) dst(%dma_wait3A_189 : memref<112x128xf32, #tpu.memory_space<vmem>>)
    %dma_wait3A_195 = arith.constant 336 : i32
    %dma_wait3A_196 = arith.constant 0 : i32
    %dma_wait3A_197 = tpu.memref_slice %arg6[%dma_wait3A_195, %dma_wait3A_196] : memref<784x128xf32, #tpu.memory_space<vmem>> -> memref<112x128xf32, #tpu.memory_space<vmem>>
    %dma_wait3A_198 = arith.constant 1120 : i32
    %dma_wait3A_199 = tpu.memref_slice %arg5[%dma_wait3A_198] : memref<1568xi32, #tpu.memory_space<vmem>> -> memref<112xi32, #tpu.memory_space<vmem>>
    %dma_wait3A_200 = arith.constant 0 : i32
    %dma_wait3A_201 = arith.constant 0 : i32
    %dma_wait3A_202 = tpu.memref_slice %arg2[%dma_wait3A_200, %dma_wait3A_201] : memref<1024x128xf32, #tpu.memory_space<hbm>> -> memref<1024x128xf32, #tpu.memory_space<hbm>>
    tpu.wait_indirect_dma semaphore(%arg7 : memref<!tpu.dma_semaphore, #tpu.memory_space<semaphore_mem>>) src(%dma_wait3A_202 : memref<1024x128xf32, #tpu.memory_space<hbm>>) dst(%dma_wait3A_197 : memref<112x128xf32, #tpu.memory_space<vmem>>)
    %dma_wait3A_203 = arith.constant 448 : i32
    %dma_wait3A_204 = arith.constant 0 : i32
    %dma_wait3A_205 = tpu.memref_slice %arg6[%dma_wait3A_203, %dma_wait3A_204] : memref<784x128xf32, #tpu.memory_space<vmem>> -> memref<112x128xf32, #tpu.memory_space<vmem>>
    %dma_wait3A_206 = arith.constant 1232 : i32
    %dma_wait3A_207 = tpu.memref_slice %arg5[%dma_wait3A_206] : memref<1568xi32, #tpu.memory_space<vmem>> -> memref<112xi32, #tpu.memory_space<vmem>>
    %dma_wait3A_208 = arith.constant 0 : i32
    %dma_wait3A_209 = arith.constant 0 : i32
    %dma_wait3A_210 = tpu.memref_slice %arg2[%dma_wait3A_208, %dma_wait3A_209] : memref<1024x128xf32, #tpu.memory_space<hbm>> -> memref<1024x128xf32, #tpu.memory_space<hbm>>
    tpu.wait_indirect_dma semaphore(%arg7 : memref<!tpu.dma_semaphore, #tpu.memory_space<semaphore_mem>>) src(%dma_wait3A_210 : memref<1024x128xf32, #tpu.memory_space<hbm>>) dst(%dma_wait3A_205 : memref<112x128xf32, #tpu.memory_space<vmem>>)
    %dma_wait3A_211 = arith.constant 560 : i32
    %dma_wait3A_212 = arith.constant 0 : i32
    %dma_wait3A_213 = tpu.memref_slice %arg6[%dma_wait3A_211, %dma_wait3A_212] : memref<784x128xf32, #tpu.memory_space<vmem>> -> memref<112x128xf32, #tpu.memory_space<vmem>>
    %dma_wait3A_214 = arith.constant 1344 : i32
    %dma_wait3A_215 = tpu.memref_slice %arg5[%dma_wait3A_214] : memref<1568xi32, #tpu.memory_space<vmem>> -> memref<112xi32, #tpu.memory_space<vmem>>
    %dma_wait3A_216 = arith.constant 0 : i32
    %dma_wait3A_217 = arith.constant 0 : i32
    %dma_wait3A_218 = tpu.memref_slice %arg2[%dma_wait3A_216, %dma_wait3A_217] : memref<1024x128xf32, #tpu.memory_space<hbm>> -> memref<1024x128xf32, #tpu.memory_space<hbm>>
    tpu.wait_indirect_dma semaphore(%arg7 : memref<!tpu.dma_semaphore, #tpu.memory_space<semaphore_mem>>) src(%dma_wait3A_218 : memref<1024x128xf32, #tpu.memory_space<hbm>>) dst(%dma_wait3A_213 : memref<112x128xf32, #tpu.memory_space<vmem>>)
    %dma_wait3A_219 = arith.constant 672 : i32
    %dma_wait3A_220 = arith.constant 0 : i32
    %dma_wait3A_221 = tpu.memref_slice %arg6[%dma_wait3A_219, %dma_wait3A_220] : memref<784x128xf32, #tpu.memory_space<vmem>> -> memref<112x128xf32, #tpu.memory_space<vmem>>
    %dma_wait3A_222 = arith.constant 1456 : i32
    %dma_wait3A_223 = tpu.memref_slice %arg5[%dma_wait3A_222] : memref<1568xi32, #tpu.memory_space<vmem>> -> memref<112xi32, #tpu.memory_space<vmem>>
    %dma_wait3A_224 = arith.constant 0 : i32
    %dma_wait3A_225 = arith.constant 0 : i32
    %dma_wait3A_226 = tpu.memref_slice %arg2[%dma_wait3A_224, %dma_wait3A_225] : memref<1024x128xf32, #tpu.memory_space<hbm>> -> memref<1024x128xf32, #tpu.memory_space<hbm>>
    tpu.wait_indirect_dma semaphore(%arg7 : memref<!tpu.dma_semaphore, #tpu.memory_space<semaphore_mem>>) src(%dma_wait3A_226 : memref<1024x128xf32, #tpu.memory_space<hbm>>) dst(%dma_wait3A_221 : memref<112x128xf32, #tpu.memory_space<vmem>>)
    %add3A_227 = arith.constant 784 : i32
    %add3A_228 = arith.addi %mul3A_2, %add3A_227 : i32
    "tpu.region"() ({
      %run_scoped3A = tpu.sem_alloc : memref<!tpu.dma_semaphore, #tpu.memory_space<semaphore_mem>>
      %dma_start3A_229 = arith.constant 0 : i32
      %dma_start3A_230 = tpu.memref_slice %arg4[%add3A_228, %dma_start3A_229] : memref<50176x128xf32, #tpu.memory_space<hbm>> -> memref<784x128xf32, #tpu.memory_space<hbm>>
      %dma_start3A_231 = arith.constant 0 : i32
      %dma_start3A_232 = tpu.memref_slice %arg4[%add3A_228, %dma_start3A_231] : memref<50176x128xf32, #tpu.memory_space<hbm>> -> memref<784x128xf32, #tpu.memory_space<hbm>>
      tpu.enqueue_dma source(%arg6 : memref<784x128xf32, #tpu.memory_space<vmem>>) target(%dma_start3A_232 : memref<784x128xf32, #tpu.memory_space<hbm>>) target_semaphore(%run_scoped3A : memref<!tpu.dma_semaphore, #tpu.memory_space<semaphore_mem>>)
      %dma_wait3A_233 = arith.constant 0 : i32
      %dma_wait3A_234 = tpu.memref_slice %arg4[%add3A_228, %dma_wait3A_233] : memref<50176x128xf32, #tpu.memory_space<hbm>> -> memref<784x128xf32, #tpu.memory_space<hbm>>
      %dma_wait3A_235 = arith.constant 0 : i32
      %dma_wait3A_236 = tpu.memref_slice %arg4[%add3A_228, %dma_wait3A_235] : memref<50176x128xf32, #tpu.memory_space<hbm>> -> memref<784x128xf32, #tpu.memory_space<hbm>>
      tpu.wait_dma2 semaphore(%run_scoped3A : memref<!tpu.dma_semaphore, #tpu.memory_space<semaphore_mem>>) src(%arg6 : memref<784x128xf32, #tpu.memory_space<vmem>>) dst(%dma_wait3A_236 : memref<784x128xf32, #tpu.memory_space<hbm>>)
      tpu.yield
    }) : () -> ()
    return
  }
}

module attributes {stable_mosaic.version = 14 : i64} {
  func.func @_stats1_kernel(%arg0: i32, %arg1: memref<1x16x224x9xf32, #tpu.memory_space<vmem>>, %arg2: memref<1x16x224x9xf32, #tpu.memory_space<vmem>>, %arg3: memref<27x64xf32, #tpu.memory_space<vmem>>, %arg4: memref<1x64xf32, #tpu.memory_space<vmem>>, %arg5: memref<1x64xf32, #tpu.memory_space<vmem>>) attributes {dimension_semantics = [#tpu.dimension_semantics<arbitrary>], iteration_bounds = array<i64: 56>, scalar_prefetch = 0 : i64, scratch_operands = 0 : i64, tpu.core_type = #tpu.core_type<tc>, window_params = [{transform_indices = @transform_0, window_bounds = array<i64: 1, 16, 224, 9>}, {transform_indices = @transform_1, window_bounds = array<i64: 1, 16, 224, 9>}, {pipeline_mode = #tpu.pipeline_mode<synchronous>, transform_indices = @transform_2, window_bounds = array<i64: 27, 64>}, {pipeline_mode = #tpu.pipeline_mode<synchronous>, transform_indices = @transform_3, window_bounds = array<i64: 1, 64>}, {pipeline_mode = #tpu.pipeline_mode<synchronous>, transform_indices = @transform_4, window_bounds = array<i64: 1, 64>}]} {
    %eq3A = arith.constant 0 : i32
    %eq3A_0 = arith.cmpi eq, %arg0, %eq3A : i32
    %convert_element_type3A = arith.extui %eq3A_0 : i1 to i32
    %cond3A = arith.constant 0 : i32
    %cond3A_1 = arith.cmpi ne, %convert_element_type3A, %cond3A : i32
    scf.if %cond3A_1 {
      %broadcast_in_dim3A_36 = arith.constant 0.000000e+00 : f32
      %broadcast_in_dim3A_37 = vector.broadcast %broadcast_in_dim3A_36 : f32 to vector<1x64xf32>
      %swap3A_38 = arith.constant 0 : index
      %swap3A_39 = arith.constant 0 : index
      %swap3A_40 = vector.load %arg4[%swap3A_38, %swap3A_39] : memref<1x64xf32, #tpu.memory_space<vmem>>, vector<1x64xf32>
      tpu.vector_store %arg4[%swap3A_38, %swap3A_39], %broadcast_in_dim3A_37 {strides = array<i32>} : memref<1x64xf32, #tpu.memory_space<vmem>>, vector<1x64xf32>,
      %broadcast_in_dim3A_41 = arith.constant 0.000000e+00 : f32
      %broadcast_in_dim3A_42 = vector.broadcast %broadcast_in_dim3A_41 : f32 to vector<1x64xf32>
      %swap3A_43 = arith.constant 0 : index
      %swap3A_44 = arith.constant 0 : index
      %swap3A_45 = vector.load %arg5[%swap3A_43, %swap3A_44] : memref<1x64xf32, #tpu.memory_space<vmem>>, vector<1x64xf32>
      tpu.vector_store %arg5[%swap3A_43, %swap3A_44], %broadcast_in_dim3A_42 {strides = array<i32>} : memref<1x64xf32, #tpu.memory_space<vmem>>, vector<1x64xf32>,
    } else {
    }
    %get3A = arith.constant 0 : index
    %get3A_2 = arith.constant 0 : index
    %get3A_3 = arith.constant 0 : index
    %get3A_4 = arith.constant 0 : index
    %get3A_5 = vector.load %arg1[%get3A, %get3A_2, %get3A_3, %get3A_4] : memref<1x16x224x9xf32, #tpu.memory_space<vmem>>, vector<1x16x224x9xf32>
    %get3A_6 = vector.shape_cast %get3A_5 : vector<1x16x224x9xf32> to vector<16x224x9xf32>
    %get3A_7 = arith.constant 0 : index
    %get3A_8 = arith.constant 0 : index
    %get3A_9 = arith.constant 0 : index
    %get3A_10 = arith.constant 0 : index
    %get3A_11 = vector.load %arg2[%get3A_7, %get3A_8, %get3A_9, %get3A_10] : memref<1x16x224x9xf32, #tpu.memory_space<vmem>>, vector<1x2x224x9xf32>
    %get3A_12 = vector.shape_cast %get3A_11 : vector<1x2x224x9xf32> to vector<2x224x9xf32>
    %concatenate3A = tpu.concatenate %get3A_6, %get3A_12 in 0 : vector<16x224x9xf32>, vector<2x224x9xf32> -> vector<18x224x9xf32>
    %slice3A = vector.extract_strided_slice %concatenate3A {offsets = [0, 0, 0], sizes = [16, 224, 9], strides = [1, 1, 1]} : vector<18x224x9xf32> to vector<16x224x9xf32>
    %slice3A_13 = vector.extract_strided_slice %concatenate3A {offsets = [1, 0, 0], sizes = [16, 224, 9], strides = [1, 1, 1]} : vector<18x224x9xf32> to vector<16x224x9xf32>
    %slice3A_14 = vector.extract_strided_slice %concatenate3A {offsets = [2, 0, 0], sizes = [16, 224, 9], strides = [1, 1, 1]} : vector<18x224x9xf32> to vector<16x224x9xf32>
    %concatenate3A_15 = tpu.concatenate %slice3A, %slice3A_13, %slice3A_14 in 2 : vector<16x224x9xf32>, vector<16x224x9xf32>, vector<16x224x9xf32> -> vector<16x224x27xf32>
    %reshape3A = vector.shape_cast %concatenate3A_15 : vector<16x224x27xf32> to vector<3584x27xf32>
    %get3A_16 = arith.constant 0 : index
    %get3A_17 = arith.constant 0 : index
    %get3A_18 = vector.load %arg3[%get3A_16, %get3A_17] : memref<27x64xf32, #tpu.memory_space<vmem>>, vector<27x64xf32>
    %dot_general3A = arith.constant dense<0.000000e+00> : vector<3584x64xf32>
    %dot_general3A_19 = tpu.matmul %reshape3A, %get3A_18, %dot_general3A {dimension_numbers = #tpu.dot_dimension_numbers<[1], [0], [0], [1], [0, 0, 1, 1], [], []>, transpose_lhs_hint = false} : vector<3584x27xf32>, vector<27x64xf32>, vector<3584x64xf32> -> vector<3584x64xf32>
    %get3A_20 = arith.constant 0 : index
    %get3A_21 = arith.constant 0 : index
    %get3A_22 = vector.load %arg4[%get3A_20, %get3A_21] : memref<1x64xf32, #tpu.memory_space<vmem>>, vector<1x64xf32>
    %reduce_sum3A = arith.constant dense<0.000000e+00> : vector<64xf32>
    %reduce_sum3A_23 = vector.multi_reduction <add>, %dot_general3A_19, %reduce_sum3A [0] : vector<3584x64xf32> to vector<64xf32>
    %broadcast_in_dim3A = vector.shape_cast %reduce_sum3A_23 : vector<64xf32> to vector<1x64xf32>
    %add3A = arith.addf %get3A_22, %broadcast_in_dim3A : vector<1x64xf32>
    %swap3A = arith.constant 0 : index
    %swap3A_24 = arith.constant 0 : index
    %swap3A_25 = vector.load %arg4[%swap3A, %swap3A_24] : memref<1x64xf32, #tpu.memory_space<vmem>>, vector<1x64xf32>
    tpu.vector_store %arg4[%swap3A, %swap3A_24], %add3A {strides = array<i32>} : memref<1x64xf32, #tpu.memory_space<vmem>>, vector<1x64xf32>,
    %get3A_26 = arith.constant 0 : index
    %get3A_27 = arith.constant 0 : index
    %get3A_28 = vector.load %arg5[%get3A_26, %get3A_27] : memref<1x64xf32, #tpu.memory_space<vmem>>, vector<1x64xf32>
    %mul3A = arith.mulf %dot_general3A_19, %dot_general3A_19 : vector<3584x64xf32>
    %reduce_sum3A_29 = arith.constant dense<0.000000e+00> : vector<64xf32>
    %reduce_sum3A_30 = vector.multi_reduction <add>, %mul3A, %reduce_sum3A_29 [0] : vector<3584x64xf32> to vector<64xf32>
    %broadcast_in_dim3A_31 = vector.shape_cast %reduce_sum3A_30 : vector<64xf32> to vector<1x64xf32>
    %add3A_32 = arith.addf %get3A_28, %broadcast_in_dim3A_31 : vector<1x64xf32>
    %swap3A_33 = arith.constant 0 : index
    %swap3A_34 = arith.constant 0 : index
    %swap3A_35 = vector.load %arg5[%swap3A_33, %swap3A_34] : memref<1x64xf32, #tpu.memory_space<vmem>>, vector<1x64xf32>
    tpu.vector_store %arg5[%swap3A_33, %swap3A_34], %add3A_32 {strides = array<i32>} : memref<1x64xf32, #tpu.memory_space<vmem>>, vector<1x64xf32>,
    return
  }
  func.func @transform_0(%arg0: i32) -> (i32, i32, i32, i32) {
    %jit3A = arith.constant 14 : i32
    %div3A = arith.divsi %arg0, %jit3A : i32
    %sign3A = arith.constant 0 : i32
    %sign3A_0 = arith.cmpi sgt, %arg0, %sign3A : i32
    %sign3A_1 = arith.extui %sign3A_0 : i1 to i32
    %sign3A_2 = arith.constant 0 : i32
    %sign3A_3 = arith.cmpi slt, %arg0, %sign3A_2 : i32
    %sign3A_4 = arith.extui %sign3A_3 : i1 to i32
    %sign3A_5 = arith.subi %sign3A_1, %sign3A_4 : i32
    %sign3A_6 = arith.constant 0 : i32
    %sign3A_7 = arith.cmpi sgt, %jit3A, %sign3A_6 : i32
    %sign3A_8 = arith.extui %sign3A_7 : i1 to i32
    %sign3A_9 = arith.constant 0 : i32
    %sign3A_10 = arith.cmpi slt, %jit3A, %sign3A_9 : i32
    %sign3A_11 = arith.extui %sign3A_10 : i1 to i32
    %sign3A_12 = arith.subi %sign3A_8, %sign3A_11 : i32
    %ne3A = arith.cmpi ne, %sign3A_5, %sign3A_12 : i32
    %rem3A = arith.remsi %arg0, %jit3A : i32
    %ne3A_13 = arith.constant 0 : i32
    %ne3A_14 = arith.cmpi ne, %rem3A, %ne3A_13 : i32
    %and3A = arith.andi %ne3A, %ne3A_14 : i1
    %sub3A = arith.constant 1 : i32
    %sub3A_15 = arith.subi %div3A, %sub3A : i32
    %select_n3A = arith.select %and3A, %sub3A_15, %div3A : i32
    %jit3A_16 = arith.constant 14 : i32
    %eq3A = arith.constant 0 : i32
    %eq3A_17 = arith.cmpi eq, %jit3A_16, %eq3A : i32
    %jit3A_18 = arith.constant 1 : i32
    %select_n3A_19 = arith.select %eq3A_17, %jit3A_18, %jit3A_16 : i32
    %rem3A_20 = arith.remsi %arg0, %select_n3A_19 : i32
    %ne3A_21 = arith.constant 0 : i32
    %ne3A_22 = arith.cmpi ne, %rem3A_20, %ne3A_21 : i32
    %lt3A = arith.constant 0 : i32
    %lt3A_23 = arith.cmpi slt, %rem3A_20, %lt3A : i32
    %lt3A_24 = arith.constant 0 : i32
    %lt3A_25 = arith.cmpi slt, %select_n3A_19, %lt3A_24 : i32
    %ne3A_26 = arith.xori %lt3A_23, %lt3A_25 : i1
    %and3A_27 = arith.andi %ne3A_26, %ne3A_22 : i1
    %add3A = arith.addi %rem3A_20, %select_n3A_19 : i32
    %select_n3A_28 = arith.select %and3A_27, %add3A, %rem3A_20 : i32
    %c0_i32 = arith.constant 0 : i32
    %c0_i32_29 = arith.constant 0 : i32
    %c0_i32_30 = arith.constant 0 : i32
    return %select_n3A, %select_n3A_28, %c0_i32, %c0_i32_29 : i32, i32, i32, i32
  }
  func.func @transform_1(%arg0: i32) -> (i32, i32, i32, i32) {
    %jit3A = arith.constant 14 : i32
    %div3A = arith.divsi %arg0, %jit3A : i32
    %sign3A = arith.constant 0 : i32
    %sign3A_0 = arith.cmpi sgt, %arg0, %sign3A : i32
    %sign3A_1 = arith.extui %sign3A_0 : i1 to i32
    %sign3A_2 = arith.constant 0 : i32
    %sign3A_3 = arith.cmpi slt, %arg0, %sign3A_2 : i32
    %sign3A_4 = arith.extui %sign3A_3 : i1 to i32
    %sign3A_5 = arith.subi %sign3A_1, %sign3A_4 : i32
    %sign3A_6 = arith.constant 0 : i32
    %sign3A_7 = arith.cmpi sgt, %jit3A, %sign3A_6 : i32
    %sign3A_8 = arith.extui %sign3A_7 : i1 to i32
    %sign3A_9 = arith.constant 0 : i32
    %sign3A_10 = arith.cmpi slt, %jit3A, %sign3A_9 : i32
    %sign3A_11 = arith.extui %sign3A_10 : i1 to i32
    %sign3A_12 = arith.subi %sign3A_8, %sign3A_11 : i32
    %ne3A = arith.cmpi ne, %sign3A_5, %sign3A_12 : i32
    %rem3A = arith.remsi %arg0, %jit3A : i32
    %ne3A_13 = arith.constant 0 : i32
    %ne3A_14 = arith.cmpi ne, %rem3A, %ne3A_13 : i32
    %and3A = arith.andi %ne3A, %ne3A_14 : i1
    %sub3A = arith.constant 1 : i32
    %sub3A_15 = arith.subi %div3A, %sub3A : i32
    %select_n3A = arith.select %and3A, %sub3A_15, %div3A : i32
    %jit3A_16 = arith.constant 14 : i32
    %eq3A = arith.constant 0 : i32
    %eq3A_17 = arith.cmpi eq, %jit3A_16, %eq3A : i32
    %jit3A_18 = arith.constant 1 : i32
    %select_n3A_19 = arith.select %eq3A_17, %jit3A_18, %jit3A_16 : i32
    %rem3A_20 = arith.remsi %arg0, %select_n3A_19 : i32
    %ne3A_21 = arith.constant 0 : i32
    %ne3A_22 = arith.cmpi ne, %rem3A_20, %ne3A_21 : i32
    %lt3A = arith.constant 0 : i32
    %lt3A_23 = arith.cmpi slt, %rem3A_20, %lt3A : i32
    %lt3A_24 = arith.constant 0 : i32
    %lt3A_25 = arith.cmpi slt, %select_n3A_19, %lt3A_24 : i32
    %ne3A_26 = arith.xori %lt3A_23, %lt3A_25 : i1
    %and3A_27 = arith.andi %ne3A_26, %ne3A_22 : i1
    %add3A = arith.addi %rem3A_20, %select_n3A_19 : i32
    %select_n3A_28 = arith.select %and3A_27, %add3A, %rem3A_20 : i32
    %add3A_29 = arith.constant 1 : i32
    %add3A_30 = arith.addi %select_n3A_28, %add3A_29 : i32
    %c0_i32 = arith.constant 0 : i32
    %c0_i32_31 = arith.constant 0 : i32
    %c0_i32_32 = arith.constant 0 : i32
    return %select_n3A, %add3A_30, %c0_i32, %c0_i32_31 : i32, i32, i32, i32
  }
  func.func @transform_2(%arg0: i32) -> (i32, i32) {
    %c0_i32 = arith.constant 0 : i32
    %c0_i32_0 = arith.constant 0 : i32
    %c0_i32_1 = arith.constant 0 : i32
    return %c0_i32, %c0_i32_0 : i32, i32
  }
  func.func @transform_3(%arg0: i32) -> (i32, i32) {
    %c0_i32 = arith.constant 0 : i32
    %c0_i32_0 = arith.constant 0 : i32
    %c0_i32_1 = arith.constant 0 : i32
    return %c0_i32, %c0_i32_0 : i32, i32
  }
  func.func @transform_4(%arg0: i32) -> (i32, i32) {
    %c0_i32 = arith.constant 0 : i32
    %c0_i32_0 = arith.constant 0 : i32
    %c0_i32_1 = arith.constant 0 : i32
    return %c0_i32, %c0_i32_0 : i32, i32
  }
}

module attributes {stable_mosaic.version = 14 : i64} {
  func.func @_encode_kernel(%arg0: i32, %arg1: memref<1x16x224x9xf32, #tpu.memory_space<vmem>>, %arg2: memref<1x16x224x9xf32, #tpu.memory_space<vmem>>, %arg3: memref<27x64xf32, #tpu.memory_space<vmem>>, %arg4: memref<1x64xf32, #tpu.memory_space<vmem>>, %arg5: memref<1x64xf32, #tpu.memory_space<vmem>>, %arg6: memref<1x64xf32, #tpu.memory_space<vmem>>, %arg7: memref<1x64xf32, #tpu.memory_space<vmem>>, %arg8: memref<64x1024xf32, #tpu.memory_space<vmem>>, %arg9: memref<1x1x896xi32, #tpu.memory_space<vmem>>, %arg10: memref<1x1xf32, #tpu.memory_space<vmem>>) attributes {dimension_semantics = [#tpu.dimension_semantics<arbitrary>], iteration_bounds = array<i64: 56>, scalar_prefetch = 0 : i64, scratch_operands = 0 : i64, tpu.core_type = #tpu.core_type<tc>, window_params = [{transform_indices = @transform_0, window_bounds = array<i64: 1, 16, 224, 9>}, {transform_indices = @transform_1, window_bounds = array<i64: 1, 16, 224, 9>}, {pipeline_mode = #tpu.pipeline_mode<synchronous>, transform_indices = @transform_2, window_bounds = array<i64: 27, 64>}, {pipeline_mode = #tpu.pipeline_mode<synchronous>, transform_indices = @transform_3, window_bounds = array<i64: 1, 64>}, {pipeline_mode = #tpu.pipeline_mode<synchronous>, transform_indices = @transform_4, window_bounds = array<i64: 1, 64>}, {pipeline_mode = #tpu.pipeline_mode<synchronous>, transform_indices = @transform_5, window_bounds = array<i64: 1, 64>}, {pipeline_mode = #tpu.pipeline_mode<synchronous>, transform_indices = @transform_6, window_bounds = array<i64: 1, 64>}, {pipeline_mode = #tpu.pipeline_mode<synchronous>, transform_indices = @transform_7, window_bounds = array<i64: 64, 1024>}, {transform_indices = @transform_8, window_bounds = array<i64: 1, 1, 896>}, {pipeline_mode = #tpu.pipeline_mode<synchronous>, transform_indices = @transform_9, window_bounds = array<i64: 1, 1>}]} {
    %get3A = arith.constant 0 : index
    %get3A_0 = arith.constant 0 : index
    %get3A_1 = vector.load %arg6[%get3A, %get3A_0] : memref<1x64xf32, #tpu.memory_space<vmem>>, vector<1x64xf32>
    %div3A = arith.constant 2.007040e+05 : f32
    %div3A_2 = vector.broadcast %div3A : f32 to vector<1x64xf32>
    %div3A_3 = arith.divf %get3A_1, %div3A_2 : vector<1x64xf32>
    %get3A_4 = arith.constant 0 : index
    %get3A_5 = arith.constant 0 : index
    %get3A_6 = vector.load %arg7[%get3A_4, %get3A_5] : memref<1x64xf32, #tpu.memory_space<vmem>>, vector<1x64xf32>
    %div3A_7 = arith.constant 2.007040e+05 : f32
    %div3A_8 = vector.broadcast %div3A_7 : f32 to vector<1x64xf32>
    %div3A_9 = arith.divf %get3A_6, %div3A_8 : vector<1x64xf32>
    %mul3A = arith.mulf %div3A_3, %div3A_3 : vector<1x64xf32>
    %sub3A = arith.subf %div3A_9, %mul3A : vector<1x64xf32>
    %get3A_10 = arith.constant 0 : index
    %get3A_11 = arith.constant 0 : index
    %get3A_12 = vector.load %arg4[%get3A_10, %get3A_11] : memref<1x64xf32, #tpu.memory_space<vmem>>, vector<1x64xf32>
    %add3A = arith.constant 9.99999974E-6 : f32
    %add3A_13 = vector.broadcast %add3A : f32 to vector<1x64xf32>
    %add3A_14 = arith.addf %sub3A, %add3A_13 : vector<1x64xf32>
    %rsqrt3A = math.rsqrt %add3A_14 : vector<1x64xf32>
    %mul3A_15 = arith.mulf %get3A_12, %rsqrt3A : vector<1x64xf32>
    %get3A_16 = arith.constant 0 : index
    %get3A_17 = arith.constant 0 : index
    %get3A_18 = vector.load %arg5[%get3A_16, %get3A_17] : memref<1x64xf32, #tpu.memory_space<vmem>>, vector<1x64xf32>
    %mul3A_19 = arith.mulf %div3A_3, %mul3A_15 : vector<1x64xf32>
    %sub3A_20 = arith.subf %get3A_18, %mul3A_19 : vector<1x64xf32>
    %get3A_21 = arith.constant 0 : index
    %get3A_22 = arith.constant 0 : index
    %get3A_23 = arith.constant 0 : index
    %get3A_24 = arith.constant 0 : index
    %get3A_25 = vector.load %arg1[%get3A_21, %get3A_22, %get3A_23, %get3A_24] : memref<1x16x224x9xf32, #tpu.memory_space<vmem>>, vector<1x16x224x9xf32>
    %get3A_26 = vector.shape_cast %get3A_25 : vector<1x16x224x9xf32> to vector<16x224x9xf32>
    %get3A_27 = arith.constant 0 : index
    %get3A_28 = arith.constant 0 : index
    %get3A_29 = arith.constant 0 : index
    %get3A_30 = arith.constant 0 : index
    %get3A_31 = vector.load %arg2[%get3A_27, %get3A_28, %get3A_29, %get3A_30] : memref<1x16x224x9xf32, #tpu.memory_space<vmem>>, vector<1x2x224x9xf32>
    %get3A_32 = vector.shape_cast %get3A_31 : vector<1x2x224x9xf32> to vector<2x224x9xf32>
    %concatenate3A = tpu.concatenate %get3A_26, %get3A_32 in 0 : vector<16x224x9xf32>, vector<2x224x9xf32> -> vector<18x224x9xf32>
    %slice3A = vector.extract_strided_slice %concatenate3A {offsets = [0, 0, 0], sizes = [16, 224, 9], strides = [1, 1, 1]} : vector<18x224x9xf32> to vector<16x224x9xf32>
    %slice3A_33 = vector.extract_strided_slice %concatenate3A {offsets = [1, 0, 0], sizes = [16, 224, 9], strides = [1, 1, 1]} : vector<18x224x9xf32> to vector<16x224x9xf32>
    %slice3A_34 = vector.extract_strided_slice %concatenate3A {offsets = [2, 0, 0], sizes = [16, 224, 9], strides = [1, 1, 1]} : vector<18x224x9xf32> to vector<16x224x9xf32>
    %concatenate3A_35 = tpu.concatenate %slice3A, %slice3A_33, %slice3A_34 in 2 : vector<16x224x9xf32>, vector<16x224x9xf32>, vector<16x224x9xf32> -> vector<16x224x27xf32>
    %reshape3A = vector.shape_cast %concatenate3A_35 : vector<16x224x27xf32> to vector<3584x27xf32>
    %get3A_36 = arith.constant 0 : index
    %get3A_37 = arith.constant 0 : index
    %get3A_38 = vector.load %arg3[%get3A_36, %get3A_37] : memref<27x64xf32, #tpu.memory_space<vmem>>, vector<27x64xf32>
    %dot_general3A = arith.constant dense<0.000000e+00> : vector<3584x64xf32>
    %dot_general3A_39 = tpu.matmul %reshape3A, %get3A_38, %dot_general3A {dimension_numbers = #tpu.dot_dimension_numbers<[1], [0], [0], [1], [0, 0, 1, 1], [], []>, transpose_lhs_hint = false} : vector<3584x27xf32>, vector<27x64xf32>, vector<3584x64xf32> -> vector<3584x64xf32>
    %mul3A_40 = vector.broadcast %mul3A_15 : vector<1x64xf32> to vector<3584x64xf32>
    %mul3A_41 = arith.mulf %dot_general3A_39, %mul3A_40 : vector<3584x64xf32>
    %add3A_42 = vector.broadcast %sub3A_20 : vector<1x64xf32> to vector<3584x64xf32>
    %add3A_43 = arith.addf %mul3A_41, %add3A_42 : vector<3584x64xf32>
    %max3A = arith.constant 0.000000e+00 : f32
    %max3A_44 = vector.broadcast %max3A : f32 to vector<3584x64xf32>
    %max3A_45 = arith.maximumf %add3A_43, %max3A_44 : vector<3584x64xf32>
    %reshape3A_46 = vector.shape_cast %max3A_45 : vector<3584x64xf32> to vector<16x224x64xf32>
    %reshape3A_47 = vector.shape_cast %reshape3A_46 : vector<16x224x64xf32> to vector<16x112x2x64xf32>
    %reduce_max3A = arith.constant dense<0xFF800000> : vector<16x112x64xf32>
    %reduce_max3A_48 = vector.multi_reduction <maximumf>, %reshape3A_47, %reduce_max3A [2] : vector<16x112x2x64xf32> to vector<16x112x64xf32>
    %reshape3A_49 = vector.shape_cast %reduce_max3A_48 : vector<16x112x64xf32> to vector<8x2x112x64xf32>
    %reduce_max3A_50 = arith.constant dense<0xFF800000> : vector<8x112x64xf32>
    %reduce_max3A_51 = vector.multi_reduction <maximumf>, %reshape3A_49, %reduce_max3A_50 [1] : vector<8x2x112x64xf32> to vector<8x112x64xf32>
    %reshape3A_52 = vector.shape_cast %reduce_max3A_51 : vector<8x112x64xf32> to vector<896x64xf32>
    %mul3A_53 = arith.mulf %reshape3A_52, %reshape3A_52 : vector<896x64xf32>
    %reduce_sum3A = arith.constant dense<0.000000e+00> : vector<896xf32>
    %reduce_sum3A_54 = vector.multi_reduction <add>, %mul3A_53, %reduce_sum3A [1] : vector<896x64xf32> to vector<896xf32>
    %broadcast_in_dim3A = vector.shape_cast %reduce_sum3A_54 : vector<896xf32> to vector<896x1xf32>
    %get3A_55 = arith.constant 0 : index
    %get3A_56 = arith.constant 0 : index
    %get3A_57 = vector.load %arg8[%get3A_55, %get3A_56] : memref<64x1024xf32, #tpu.memory_space<vmem>>, vector<64x1024xf32>
    %get3A_58 = arith.constant 0 : index
    %get3A_59 = arith.constant 0 : index
    %get3A_60 = vector.load %arg8[%get3A_58, %get3A_59] : memref<64x1024xf32, #tpu.memory_space<vmem>>, vector<64x1024xf32>
    %mul3A_61 = arith.mulf %get3A_57, %get3A_60 : vector<64x1024xf32>
    %reduce_sum3A_62 = arith.constant dense<0.000000e+00> : vector<1024xf32>
    %reduce_sum3A_63 = vector.multi_reduction <add>, %mul3A_61, %reduce_sum3A_62 [0] : vector<64x1024xf32> to vector<1024xf32>
    %broadcast_in_dim3A_64 = vector.shape_cast %reduce_sum3A_63 : vector<1024xf32> to vector<1x1024xf32>
    %get3A_65 = arith.constant 0 : index
    %get3A_66 = arith.constant 0 : index
    %get3A_67 = vector.load %arg8[%get3A_65, %get3A_66] : memref<64x1024xf32, #tpu.memory_space<vmem>>, vector<64x1024xf32>
    %mul3A_68 = arith.constant 2.000000e+00 : f32
    %mul3A_69 = vector.broadcast %mul3A_68 : f32 to vector<64x1024xf32>
    %mul3A_70 = arith.mulf %get3A_67, %mul3A_69 : vector<64x1024xf32>
    %dot_general3A_71 = arith.constant dense<0.000000e+00> : vector<896x1024xf32>
    %dot_general3A_72 = tpu.matmul %reshape3A_52, %mul3A_70, %dot_general3A_71 {dimension_numbers = #tpu.dot_dimension_numbers<[1], [0], [0], [1], [0, 0, 1, 1], [], []>, transpose_lhs_hint = false} : vector<896x64xf32>, vector<64x1024xf32>, vector<896x1024xf32> -> vector<896x1024xf32>
    %sub3A_73 = vector.broadcast %broadcast_in_dim3A : vector<896x1xf32> to vector<896x1024xf32>
    %sub3A_74 = arith.subf %sub3A_73, %dot_general3A_72 : vector<896x1024xf32>
    %add3A_75 = vector.broadcast %broadcast_in_dim3A_64 : vector<1x1024xf32> to vector<896x1024xf32>
    %add3A_76 = arith.addf %sub3A_74, %add3A_75 : vector<896x1024xf32>
    %reduce_min3A = arith.constant dense<0x7F800000> : vector<896xf32>
    %reduce_min3A_77 = vector.multi_reduction <minimumf>, %add3A_76, %reduce_min3A [1] : vector<896x1024xf32> to vector<896xf32>
    %broadcast_in_dim3A_78 = vector.shape_cast %reduce_min3A_77 : vector<896xf32> to vector<896x1xf32>
    %iota3A = tpu.iota {dimensions = array<i32: 1>} : vector<896x1024xi32>
    %eq3A = vector.broadcast %broadcast_in_dim3A_78 : vector<896x1xf32> to vector<896x1024xf32>
    %eq3A_79 = arith.cmpf oeq, %add3A_76, %eq3A : vector<896x1024xf32>
    %jit3A = arith.constant 1073741824 : i32
    %broadcast_in_dim3A_80 = vector.broadcast %jit3A : i32 to vector<896x1024xi32>
    %select_n3A = arith.select %eq3A_79, %iota3A, %broadcast_in_dim3A_80 : vector<896x1024xi1>, vector<896x1024xi32>
    %reduce_min3A_81 = arith.constant dense<2147483647> : vector<896xi32>
    %reduce_min3A_82 = vector.multi_reduction <minsi>, %select_n3A, %reduce_min3A_81 [1] : vector<896x1024xi32> to vector<896xi32>
    %reshape3A_83 = vector.shape_cast %reduce_min3A_82 : vector<896xi32> to vector<1x1x896xi32>
    %swap3A = arith.constant 0 : index
    %swap3A_84 = arith.constant 0 : index
    %swap3A_85 = arith.constant 0 : index
    %swap3A_86 = vector.load %arg9[%swap3A, %swap3A_84, %swap3A_85] : memref<1x1x896xi32, #tpu.memory_space<vmem>>, vector<1x1x896xi32>
    tpu.vector_store %arg9[%swap3A, %swap3A_84, %swap3A_85], %reshape3A_83 {strides = array<i32>} : memref<1x1x896xi32, #tpu.memory_space<vmem>>, vector<1x1x896xi32>,
    %eq3A_87 = arith.constant 0 : i32
    %eq3A_88 = arith.cmpi eq, %arg0, %eq3A_87 : i32
    %convert_element_type3A = arith.extui %eq3A_88 : i1 to i32
    %cond3A = arith.constant 0 : i32
    %cond3A_89 = arith.cmpi ne, %convert_element_type3A, %cond3A : i32
    scf.if %cond3A_89 {
      %broadcast_in_dim3A_103 = arith.constant 0.000000e+00 : f32
      %broadcast_in_dim3A_104 = vector.broadcast %broadcast_in_dim3A_103 : f32 to vector<1x1xf32>
      %swap3A_105 = arith.constant 0 : index
      %swap3A_106 = arith.constant 0 : index
      %swap3A_107 = vector.load %arg10[%swap3A_105, %swap3A_106] : memref<1x1xf32, #tpu.memory_space<vmem>>, vector<1x1xf32>
      tpu.vector_store %arg10[%swap3A_105, %swap3A_106], %broadcast_in_dim3A_104 {strides = array<i32>} : memref<1x1xf32, #tpu.memory_space<vmem>>, vector<1x1xf32>,
    } else {
    }
    %get3A_90 = arith.constant 0 : index
    %get3A_91 = arith.constant 0 : index
    %get3A_92 = vector.load %arg10[%get3A_90, %get3A_91] : memref<1x1xf32, #tpu.memory_space<vmem>>, vector<1x1xf32>
    %reduce_sum3A_93 = vector.shape_cast %broadcast_in_dim3A_78 : vector<896x1xf32> to vector<1x896x1xf32>
    %reduce_sum3A_94 = arith.constant dense<0.000000e+00> : vector<1xf32>
    %reduce_sum3A_95 = vector.multi_reduction <add>, %reduce_sum3A_93, %reduce_sum3A_94 [1, 2] : vector<1x896x1xf32> to vector<1xf32>
    %reduce_sum3A_96 = vector.shape_cast %reduce_sum3A_95 : vector<1xf32> to vector<1x1x1xf32>
    %reduce_sum3A_97 = vector.extract %reduce_sum3A_96[0, 0, 0] : f32 from vector<1x1x1xf32>
    %add3A_98 = vector.broadcast %reduce_sum3A_97 : f32 to vector<1x1xf32>
    %add3A_99 = arith.addf %get3A_92, %add3A_98 : vector<1x1xf32>
    %swap3A_100 = arith.constant 0 : index
    %swap3A_101 = arith.constant 0 : index
    %swap3A_102 = vector.load %arg10[%swap3A_100, %swap3A_101] : memref<1x1xf32, #tpu.memory_space<vmem>>, vector<1x1xf32>
    tpu.vector_store %arg10[%swap3A_100, %swap3A_101], %add3A_99 {strides = array<i32>} : memref<1x1xf32, #tpu.memory_space<vmem>>, vector<1x1xf32>,
    return
  }
  func.func @transform_0(%arg0: i32) -> (i32, i32, i32, i32) {
    %jit3A = arith.constant 14 : i32
    %div3A = arith.divsi %arg0, %jit3A : i32
    %sign3A = arith.constant 0 : i32
    %sign3A_0 = arith.cmpi sgt, %arg0, %sign3A : i32
    %sign3A_1 = arith.extui %sign3A_0 : i1 to i32
    %sign3A_2 = arith.constant 0 : i32
    %sign3A_3 = arith.cmpi slt, %arg0, %sign3A_2 : i32
    %sign3A_4 = arith.extui %sign3A_3 : i1 to i32
    %sign3A_5 = arith.subi %sign3A_1, %sign3A_4 : i32
    %sign3A_6 = arith.constant 0 : i32
    %sign3A_7 = arith.cmpi sgt, %jit3A, %sign3A_6 : i32
    %sign3A_8 = arith.extui %sign3A_7 : i1 to i32
    %sign3A_9 = arith.constant 0 : i32
    %sign3A_10 = arith.cmpi slt, %jit3A, %sign3A_9 : i32
    %sign3A_11 = arith.extui %sign3A_10 : i1 to i32
    %sign3A_12 = arith.subi %sign3A_8, %sign3A_11 : i32
    %ne3A = arith.cmpi ne, %sign3A_5, %sign3A_12 : i32
    %rem3A = arith.remsi %arg0, %jit3A : i32
    %ne3A_13 = arith.constant 0 : i32
    %ne3A_14 = arith.cmpi ne, %rem3A, %ne3A_13 : i32
    %and3A = arith.andi %ne3A, %ne3A_14 : i1
    %sub3A = arith.constant 1 : i32
    %sub3A_15 = arith.subi %div3A, %sub3A : i32
    %select_n3A = arith.select %and3A, %sub3A_15, %div3A : i32
    %jit3A_16 = arith.constant 14 : i32
    %eq3A = arith.constant 0 : i32
    %eq3A_17 = arith.cmpi eq, %jit3A_16, %eq3A : i32
    %jit3A_18 = arith.constant 1 : i32
    %select_n3A_19 = arith.select %eq3A_17, %jit3A_18, %jit3A_16 : i32
    %rem3A_20 = arith.remsi %arg0, %select_n3A_19 : i32
    %ne3A_21 = arith.constant 0 : i32
    %ne3A_22 = arith.cmpi ne, %rem3A_20, %ne3A_21 : i32
    %lt3A = arith.constant 0 : i32
    %lt3A_23 = arith.cmpi slt, %rem3A_20, %lt3A : i32
    %lt3A_24 = arith.constant 0 : i32
    %lt3A_25 = arith.cmpi slt, %select_n3A_19, %lt3A_24 : i32
    %ne3A_26 = arith.xori %lt3A_23, %lt3A_25 : i1
    %and3A_27 = arith.andi %ne3A_26, %ne3A_22 : i1
    %add3A = arith.addi %rem3A_20, %select_n3A_19 : i32
    %select_n3A_28 = arith.select %and3A_27, %add3A, %rem3A_20 : i32
    %c0_i32 = arith.constant 0 : i32
    %c0_i32_29 = arith.constant 0 : i32
    %c0_i32_30 = arith.constant 0 : i32
    return %select_n3A, %select_n3A_28, %c0_i32, %c0_i32_29 : i32, i32, i32, i32
  }
  func.func @transform_1(%arg0: i32) -> (i32, i32, i32, i32) {
    %jit3A = arith.constant 14 : i32
    %div3A = arith.divsi %arg0, %jit3A : i32
    %sign3A = arith.constant 0 : i32
    %sign3A_0 = arith.cmpi sgt, %arg0, %sign3A : i32
    %sign3A_1 = arith.extui %sign3A_0 : i1 to i32
    %sign3A_2 = arith.constant 0 : i32
    %sign3A_3 = arith.cmpi slt, %arg0, %sign3A_2 : i32
    %sign3A_4 = arith.extui %sign3A_3 : i1 to i32
    %sign3A_5 = arith.subi %sign3A_1, %sign3A_4 : i32
    %sign3A_6 = arith.constant 0 : i32
    %sign3A_7 = arith.cmpi sgt, %jit3A, %sign3A_6 : i32
    %sign3A_8 = arith.extui %sign3A_7 : i1 to i32
    %sign3A_9 = arith.constant 0 : i32
    %sign3A_10 = arith.cmpi slt, %jit3A, %sign3A_9 : i32
    %sign3A_11 = arith.extui %sign3A_10 : i1 to i32
    %sign3A_12 = arith.subi %sign3A_8, %sign3A_11 : i32
    %ne3A = arith.cmpi ne, %sign3A_5, %sign3A_12 : i32
    %rem3A = arith.remsi %arg0, %jit3A : i32
    %ne3A_13 = arith.constant 0 : i32
    %ne3A_14 = arith.cmpi ne, %rem3A, %ne3A_13 : i32
    %and3A = arith.andi %ne3A, %ne3A_14 : i1
    %sub3A = arith.constant 1 : i32
    %sub3A_15 = arith.subi %div3A, %sub3A : i32
    %select_n3A = arith.select %and3A, %sub3A_15, %div3A : i32
    %jit3A_16 = arith.constant 14 : i32
    %eq3A = arith.constant 0 : i32
    %eq3A_17 = arith.cmpi eq, %jit3A_16, %eq3A : i32
    %jit3A_18 = arith.constant 1 : i32
    %select_n3A_19 = arith.select %eq3A_17, %jit3A_18, %jit3A_16 : i32
    %rem3A_20 = arith.remsi %arg0, %select_n3A_19 : i32
    %ne3A_21 = arith.constant 0 : i32
    %ne3A_22 = arith.cmpi ne, %rem3A_20, %ne3A_21 : i32
    %lt3A = arith.constant 0 : i32
    %lt3A_23 = arith.cmpi slt, %rem3A_20, %lt3A : i32
    %lt3A_24 = arith.constant 0 : i32
    %lt3A_25 = arith.cmpi slt, %select_n3A_19, %lt3A_24 : i32
    %ne3A_26 = arith.xori %lt3A_23, %lt3A_25 : i1
    %and3A_27 = arith.andi %ne3A_26, %ne3A_22 : i1
    %add3A = arith.addi %rem3A_20, %select_n3A_19 : i32
    %select_n3A_28 = arith.select %and3A_27, %add3A, %rem3A_20 : i32
    %add3A_29 = arith.constant 1 : i32
    %add3A_30 = arith.addi %select_n3A_28, %add3A_29 : i32
    %c0_i32 = arith.constant 0 : i32
    %c0_i32_31 = arith.constant 0 : i32
    %c0_i32_32 = arith.constant 0 : i32
    return %select_n3A, %add3A_30, %c0_i32, %c0_i32_31 : i32, i32, i32, i32
  }
  func.func @transform_2(%arg0: i32) -> (i32, i32) {
    %c0_i32 = arith.constant 0 : i32
    %c0_i32_0 = arith.constant 0 : i32
    %c0_i32_1 = arith.constant 0 : i32
    return %c0_i32, %c0_i32_0 : i32, i32
  }
  func.func @transform_3(%arg0: i32) -> (i32, i32) {
    %c0_i32 = arith.constant 0 : i32
    %c0_i32_0 = arith.constant 0 : i32
    %c0_i32_1 = arith.constant 0 : i32
    return %c0_i32, %c0_i32_0 : i32, i32
  }
  func.func @transform_4(%arg0: i32) -> (i32, i32) {
    %c0_i32 = arith.constant 0 : i32
    %c0_i32_0 = arith.constant 0 : i32
    %c0_i32_1 = arith.constant 0 : i32
    return %c0_i32, %c0_i32_0 : i32, i32
  }
  func.func @transform_5(%arg0: i32) -> (i32, i32) {
    %c0_i32 = arith.constant 0 : i32
    %c0_i32_0 = arith.constant 0 : i32
    %c0_i32_1 = arith.constant 0 : i32
    return %c0_i32, %c0_i32_0 : i32, i32
  }
  func.func @transform_6(%arg0: i32) -> (i32, i32) {
    %c0_i32 = arith.constant 0 : i32
    %c0_i32_0 = arith.constant 0 : i32
    %c0_i32_1 = arith.constant 0 : i32
    return %c0_i32, %c0_i32_0 : i32, i32
  }
  func.func @transform_7(%arg0: i32) -> (i32, i32) {
    %c0_i32 = arith.constant 0 : i32
    %c0_i32_0 = arith.constant 0 : i32
    %c0_i32_1 = arith.constant 0 : i32
    return %c0_i32, %c0_i32_0 : i32, i32
  }
  func.func @transform_8(%arg0: i32) -> (i32, i32, i32) {
    %c0_i32 = arith.constant 0 : i32
    %c0_i32_0 = arith.constant 0 : i32
    %c0_i32_1 = arith.constant 0 : i32
    return %arg0, %c0_i32, %c0_i32_0 : i32, i32, i32
  }
  func.func @transform_9(%arg0: i32) -> (i32, i32) {
    %c0_i32 = arith.constant 0 : i32
    %c0_i32_0 = arith.constant 0 : i32
    %c0_i32_1 = arith.constant 0 : i32
    return %c0_i32, %c0_i32_0 : i32, i32
  }
}

module attributes {stable_mosaic.version = 14 : i64} {
  func.func @_decode_kernel(%arg0: i32, %arg1: memref<1x8x112x64xf32, #tpu.memory_space<vmem>>, %arg2: memref<1x8x112x64xf32, #tpu.memory_space<vmem>>, %arg3: memref<1x8x112x64xf32, #tpu.memory_space<vmem>>, %arg4: memref<2x2x2x2x64x4xf32, #tpu.memory_space<vmem>>, %arg5: memref<1x8x112x4xf32, #tpu.memory_space<vmem>>, %arg6: memref<1x8x112x4xf32, #tpu.memory_space<vmem>>, %arg7: memref<1x8x112x4xf32, #tpu.memory_space<vmem>>, %arg8: memref<1x8x112x4xf32, #tpu.memory_space<vmem>>, %arg9: memref<1x4xf32, #tpu.memory_space<vmem>>, %arg10: memref<1x4xf32, #tpu.memory_space<vmem>>) attributes {dimension_semantics = [#tpu.dimension_semantics<arbitrary>], iteration_bounds = array<i64: 56>, scalar_prefetch = 0 : i64, scratch_operands = 0 : i64, tpu.core_type = #tpu.core_type<tc>, window_params = [{transform_indices = @transform_0, window_bounds = array<i64: 1, 8, 112, 64>}, {transform_indices = @transform_1, window_bounds = array<i64: 1, 8, 112, 64>}, {transform_indices = @transform_2, window_bounds = array<i64: 1, 8, 112, 64>}, {pipeline_mode = #tpu.pipeline_mode<synchronous>, transform_indices = @transform_3, window_bounds = array<i64: 2, 2, 2, 2, 64, 4>}, {transform_indices = @transform_4, window_bounds = array<i64: 1, 8, 112, 4>}, {transform_indices = @transform_5, window_bounds = array<i64: 1, 8, 112, 4>}, {transform_indices = @transform_6, window_bounds = array<i64: 1, 8, 112, 4>}, {transform_indices = @transform_7, window_bounds = array<i64: 1, 8, 112, 4>}, {pipeline_mode = #tpu.pipeline_mode<synchronous>, transform_indices = @transform_8, window_bounds = array<i64: 1, 4>}, {pipeline_mode = #tpu.pipeline_mode<synchronous>, transform_indices = @transform_9, window_bounds = array<i64: 1, 4>}]} {
    %jit3A = arith.constant 14 : i32
    %eq3A = arith.constant 0 : i32
    %eq3A_0 = arith.cmpi eq, %jit3A, %eq3A : i32
    %jit3A_1 = arith.constant 1 : i32
    %select_n3A = arith.select %eq3A_0, %jit3A_1, %jit3A : i32
    %rem3A = arith.remsi %arg0, %select_n3A : i32
    %ne3A = arith.constant 0 : i32
    %ne3A_2 = arith.cmpi ne, %rem3A, %ne3A : i32
    %lt3A = arith.constant 0 : i32
    %lt3A_3 = arith.cmpi slt, %rem3A, %lt3A : i32
    %lt3A_4 = arith.constant 0 : i32
    %lt3A_5 = arith.cmpi slt, %select_n3A, %lt3A_4 : i32
    %ne3A_6 = arith.xori %lt3A_3, %lt3A_5 : i1
    %and3A = arith.andi %ne3A_6, %ne3A_2 : i1
    %add3A = arith.addi %rem3A, %select_n3A : i32
    %select_n3A_7 = arith.select %and3A, %add3A, %rem3A : i32
    %get3A = arith.constant 0 : index
    %get3A_8 = arith.constant 0 : index
    %get3A_9 = arith.constant 0 : index
    %get3A_10 = arith.constant 0 : index
    %get3A_11 = vector.load %arg1[%get3A, %get3A_8, %get3A_9, %get3A_10] : memref<1x8x112x64xf32, #tpu.memory_space<vmem>>, vector<1x8x112x64xf32>
    %get3A_12 = vector.shape_cast %get3A_11 : vector<1x8x112x64xf32> to vector<8x112x64xf32>
    %gt3A = arith.constant 0 : i32
    %gt3A_13 = arith.cmpi sgt, %select_n3A_7, %gt3A : i32
    %get3A_14 = arith.constant 0 : index
    %get3A_15 = arith.constant 7 : index
    %get3A_16 = arith.constant 0 : index
    %get3A_17 = arith.constant 0 : index
    %get3A_18 = vector.load %arg2[%get3A_14, %get3A_15, %get3A_16, %get3A_17] : memref<1x8x112x64xf32, #tpu.memory_space<vmem>>, vector<1x1x112x64xf32>
    %get3A_19 = vector.shape_cast %get3A_18 : vector<1x1x112x64xf32> to vector<112x64xf32>
    %jit3A_20 = arith.constant 0.000000e+00 : f32
    %broadcast_in_dim3A = vector.broadcast %jit3A_20 : f32 to vector<112x64xf32>
    %select_n3A_21 = arith.select %gt3A_13, %get3A_19, %broadcast_in_dim3A : vector<112x64xf32>
    %lt3A_22 = arith.constant 13 : i32
    %lt3A_23 = arith.cmpi slt, %select_n3A_7, %lt3A_22 : i32
    %get3A_24 = arith.constant 0 : index
    %get3A_25 = arith.constant 0 : index
    %get3A_26 = arith.constant 0 : index
    %get3A_27 = arith.constant 0 : index
    %get3A_28 = vector.load %arg3[%get3A_24, %get3A_25, %get3A_26, %get3A_27] : memref<1x8x112x64xf32, #tpu.memory_space<vmem>>, vector<1x1x112x64xf32>
    %get3A_29 = vector.shape_cast %get3A_28 : vector<1x1x112x64xf32> to vector<112x64xf32>
    %jit3A_30 = arith.constant 0.000000e+00 : f32
    %broadcast_in_dim3A_31 = vector.broadcast %jit3A_30 : f32 to vector<112x64xf32>
    %select_n3A_32 = arith.select %lt3A_23, %get3A_29, %broadcast_in_dim3A_31 : vector<112x64xf32>
    %broadcast_in_dim3A_33 = vector.shape_cast %select_n3A_21 : vector<112x64xf32> to vector<1x112x64xf32>
    %broadcast_in_dim3A_34 = vector.shape_cast %select_n3A_32 : vector<112x64xf32> to vector<1x112x64xf32>
    %concatenate3A = tpu.concatenate %broadcast_in_dim3A_33, %get3A_12, %broadcast_in_dim3A_34 in 0 : vector<1x112x64xf32>, vector<8x112x64xf32>, vector<1x112x64xf32> -> vector<10x112x64xf32>
    %broadcast_in_dim3A_35 = arith.constant 0.000000e+00 : f32
    %broadcast_in_dim3A_36 = vector.broadcast %broadcast_in_dim3A_35 : f32 to vector<10x1x64xf32>
    %concatenate3A_37 = tpu.concatenate %broadcast_in_dim3A_36, %concatenate3A, %broadcast_in_dim3A_36 in 1 : vector<10x1x64xf32>, vector<10x112x64xf32>, vector<10x1x64xf32> -> vector<10x114x64xf32>
    %eq3A_38 = arith.constant 0 : i32
    %eq3A_39 = arith.cmpi eq, %arg0, %eq3A_38 : i32
    %convert_element_type3A = arith.extui %eq3A_39 : i1 to i32
    %cond3A = arith.constant 0 : i32
    %cond3A_40 = arith.cmpi ne, %convert_element_type3A, %cond3A : i32
    scf.if %cond3A_40 {
      %broadcast_in_dim3A_359 = arith.constant 0.000000e+00 : f32
      %broadcast_in_dim3A_360 = vector.broadcast %broadcast_in_dim3A_359 : f32 to vector<1x4xf32>
      %swap3A_361 = arith.constant 0 : index
      %swap3A_362 = arith.constant 0 : index
      %swap3A_363 = vector.load %arg9[%swap3A_361, %swap3A_362] : memref<1x4xf32, #tpu.memory_space<vmem>>, vector<1x4xf32>
      tpu.vector_store %arg9[%swap3A_361, %swap3A_362], %broadcast_in_dim3A_360 {strides = array<i32>} : memref<1x4xf32, #tpu.memory_space<vmem>>, vector<1x4xf32>,
      %broadcast_in_dim3A_364 = arith.constant 0.000000e+00 : f32
      %broadcast_in_dim3A_365 = vector.broadcast %broadcast_in_dim3A_364 : f32 to vector<1x4xf32>
      %swap3A_366 = arith.constant 0 : index
      %swap3A_367 = arith.constant 0 : index
      %swap3A_368 = vector.load %arg10[%swap3A_366, %swap3A_367] : memref<1x4xf32, #tpu.memory_space<vmem>>, vector<1x4xf32>
      tpu.vector_store %arg10[%swap3A_366, %swap3A_367], %broadcast_in_dim3A_365 {strides = array<i32>} : memref<1x4xf32, #tpu.memory_space<vmem>>, vector<1x4xf32>,
    } else {
    }
    %broadcast_in_dim3A_41 = arith.constant 0.000000e+00 : f32
    %broadcast_in_dim3A_42 = vector.broadcast %broadcast_in_dim3A_41 : f32 to vector<896x4xf32>
    %slice3A = vector.extract_strided_slice %concatenate3A_37 {offsets = [0, 0, 0], sizes = [8, 112, 64], strides = [1, 1, 1]} : vector<10x114x64xf32> to vector<8x112x64xf32>
    %reshape3A = vector.shape_cast %slice3A : vector<8x112x64xf32> to vector<896x64xf32>
    %get3A_43 = arith.constant 0 : index
    %get3A_44 = arith.constant 0 : index
    %get3A_45 = arith.constant 0 : index
    %get3A_46 = arith.constant 0 : index
    %get3A_47 = arith.constant 0 : index
    %get3A_48 = arith.constant 0 : index
    %get3A_49 = vector.load %arg4[%get3A_43, %get3A_44, %get3A_45, %get3A_46, %get3A_47, %get3A_48] : memref<2x2x2x2x64x4xf32, #tpu.memory_space<vmem>>, vector<1x1x1x1x64x4xf32>
    %get3A_50 = vector.shape_cast %get3A_49 : vector<1x1x1x1x64x4xf32> to vector<64x4xf32>
    %dot_general3A = arith.constant dense<0.000000e+00> : vector<896x4xf32>
    %dot_general3A_51 = tpu.matmul %reshape3A, %get3A_50, %dot_general3A {dimension_numbers = #tpu.dot_dimension_numbers<[1], [0], [0], [1], [0, 0, 1, 1], [], []>, transpose_lhs_hint = false} : vector<896x64xf32>, vector<64x4xf32>, vector<896x4xf32> -> vector<896x4xf32>
    %add3A_52 = arith.addf %broadcast_in_dim3A_42, %dot_general3A_51 : vector<896x4xf32>
    %slice3A_53 = vector.extract_strided_slice %concatenate3A_37 {offsets = [0, 1, 0], sizes = [8, 112, 64], strides = [1, 1, 1]} : vector<10x114x64xf32> to vector<8x112x64xf32>
    %reshape3A_54 = vector.shape_cast %slice3A_53 : vector<8x112x64xf32> to vector<896x64xf32>
    %get3A_55 = arith.constant 0 : index
    %get3A_56 = arith.constant 0 : index
    %get3A_57 = arith.constant 0 : index
    %get3A_58 = arith.constant 1 : index
    %get3A_59 = arith.constant 0 : index
    %get3A_60 = arith.constant 0 : index
    %get3A_61 = vector.load %arg4[%get3A_55, %get3A_56, %get3A_57, %get3A_58, %get3A_59, %get3A_60] : memref<2x2x2x2x64x4xf32, #tpu.memory_space<vmem>>, vector<1x1x1x1x64x4xf32>
    %get3A_62 = vector.shape_cast %get3A_61 : vector<1x1x1x1x64x4xf32> to vector<64x4xf32>
    %dot_general3A_63 = arith.constant dense<0.000000e+00> : vector<896x4xf32>
    %dot_general3A_64 = tpu.matmul %reshape3A_54, %get3A_62, %dot_general3A_63 {dimension_numbers = #tpu.dot_dimension_numbers<[1], [0], [0], [1], [0, 0, 1, 1], [], []>, transpose_lhs_hint = false} : vector<896x64xf32>, vector<64x4xf32>, vector<896x4xf32> -> vector<896x4xf32>
    %add3A_65 = arith.addf %add3A_52, %dot_general3A_64 : vector<896x4xf32>
    %slice3A_66 = vector.extract_strided_slice %concatenate3A_37 {offsets = [1, 0, 0], sizes = [8, 112, 64], strides = [1, 1, 1]} : vector<10x114x64xf32> to vector<8x112x64xf32>
    %reshape3A_67 = vector.shape_cast %slice3A_66 : vector<8x112x64xf32> to vector<896x64xf32>
    %get3A_68 = arith.constant 0 : index
    %get3A_69 = arith.constant 0 : index
    %get3A_70 = arith.constant 1 : index
    %get3A_71 = arith.constant 0 : index
    %get3A_72 = arith.constant 0 : index
    %get3A_73 = arith.constant 0 : index
    %get3A_74 = vector.load %arg4[%get3A_68, %get3A_69, %get3A_70, %get3A_71, %get3A_72, %get3A_73] : memref<2x2x2x2x64x4xf32, #tpu.memory_space<vmem>>, vector<1x1x1x1x64x4xf32>
    %get3A_75 = vector.shape_cast %get3A_74 : vector<1x1x1x1x64x4xf32> to vector<64x4xf32>
    %dot_general3A_76 = arith.constant dense<0.000000e+00> : vector<896x4xf32>
    %dot_general3A_77 = tpu.matmul %reshape3A_67, %get3A_75, %dot_general3A_76 {dimension_numbers = #tpu.dot_dimension_numbers<[1], [0], [0], [1], [0, 0, 1, 1], [], []>, transpose_lhs_hint = false} : vector<896x64xf32>, vector<64x4xf32>, vector<896x4xf32> -> vector<896x4xf32>
    %add3A_78 = arith.addf %add3A_65, %dot_general3A_77 : vector<896x4xf32>
    %slice3A_79 = vector.extract_strided_slice %concatenate3A_37 {offsets = [1, 1, 0], sizes = [8, 112, 64], strides = [1, 1, 1]} : vector<10x114x64xf32> to vector<8x112x64xf32>
    %reshape3A_80 = vector.shape_cast %slice3A_79 : vector<8x112x64xf32> to vector<896x64xf32>
    %get3A_81 = arith.constant 0 : index
    %get3A_82 = arith.constant 0 : index
    %get3A_83 = arith.constant 1 : index
    %get3A_84 = arith.constant 1 : index
    %get3A_85 = arith.constant 0 : index
    %get3A_86 = arith.constant 0 : index
    %get3A_87 = vector.load %arg4[%get3A_81, %get3A_82, %get3A_83, %get3A_84, %get3A_85, %get3A_86] : memref<2x2x2x2x64x4xf32, #tpu.memory_space<vmem>>, vector<1x1x1x1x64x4xf32>
    %get3A_88 = vector.shape_cast %get3A_87 : vector<1x1x1x1x64x4xf32> to vector<64x4xf32>
    %dot_general3A_89 = arith.constant dense<0.000000e+00> : vector<896x4xf32>
    %dot_general3A_90 = tpu.matmul %reshape3A_80, %get3A_88, %dot_general3A_89 {dimension_numbers = #tpu.dot_dimension_numbers<[1], [0], [0], [1], [0, 0, 1, 1], [], []>, transpose_lhs_hint = false} : vector<896x64xf32>, vector<64x4xf32>, vector<896x4xf32> -> vector<896x4xf32>
    %add3A_91 = arith.addf %add3A_78, %dot_general3A_90 : vector<896x4xf32>
    %reshape3A_92 = vector.shape_cast %add3A_91 : vector<896x4xf32> to vector<1x8x112x4xf32>
    %swap3A = arith.constant 0 : index
    %swap3A_93 = arith.constant 0 : index
    %swap3A_94 = arith.constant 0 : index
    %swap3A_95 = arith.constant 0 : index
    %swap3A_96 = vector.load %arg5[%swap3A, %swap3A_93, %swap3A_94, %swap3A_95] : memref<1x8x112x4xf32, #tpu.memory_space<vmem>>, vector<1x8x112x4xf32>
    tpu.vector_store %arg5[%swap3A, %swap3A_93, %swap3A_94, %swap3A_95], %reshape3A_92 {strides = array<i32>} : memref<1x8x112x4xf32, #tpu.memory_space<vmem>>, vector<1x8x112x4xf32>,
    %get3A_97 = arith.constant 0 : index
    %get3A_98 = arith.constant 0 : index
    %get3A_99 = vector.load %arg9[%get3A_97, %get3A_98] : memref<1x4xf32, #tpu.memory_space<vmem>>, vector<1x4xf32>
    %reduce_sum3A = arith.constant dense<0.000000e+00> : vector<4xf32>
    %reduce_sum3A_100 = vector.multi_reduction <add>, %add3A_91, %reduce_sum3A [0] : vector<896x4xf32> to vector<4xf32>
    %broadcast_in_dim3A_101 = vector.shape_cast %reduce_sum3A_100 : vector<4xf32> to vector<1x4xf32>
    %add3A_102 = arith.addf %get3A_99, %broadcast_in_dim3A_101 : vector<1x4xf32>
    %swap3A_103 = arith.constant 0 : index
    %swap3A_104 = arith.constant 0 : index
    %swap3A_105 = vector.load %arg9[%swap3A_103, %swap3A_104] : memref<1x4xf32, #tpu.memory_space<vmem>>, vector<1x4xf32>
    tpu.vector_store %arg9[%swap3A_103, %swap3A_104], %add3A_102 {strides = array<i32>} : memref<1x4xf32, #tpu.memory_space<vmem>>, vector<1x4xf32>,
    %get3A_106 = arith.constant 0 : index
    %get3A_107 = arith.constant 0 : index
    %get3A_108 = vector.load %arg10[%get3A_106, %get3A_107] : memref<1x4xf32, #tpu.memory_space<vmem>>, vector<1x4xf32>
    %mul3A = arith.mulf %add3A_91, %add3A_91 : vector<896x4xf32>
    %reduce_sum3A_109 = arith.constant dense<0.000000e+00> : vector<4xf32>
    %reduce_sum3A_110 = vector.multi_reduction <add>, %mul3A, %reduce_sum3A_109 [0] : vector<896x4xf32> to vector<4xf32>
    %broadcast_in_dim3A_111 = vector.shape_cast %reduce_sum3A_110 : vector<4xf32> to vector<1x4xf32>
    %add3A_112 = arith.addf %get3A_108, %broadcast_in_dim3A_111 : vector<1x4xf32>
    %swap3A_113 = arith.constant 0 : index
    %swap3A_114 = arith.constant 0 : index
    %swap3A_115 = vector.load %arg10[%swap3A_113, %swap3A_114] : memref<1x4xf32, #tpu.memory_space<vmem>>, vector<1x4xf32>
    tpu.vector_store %arg10[%swap3A_113, %swap3A_114], %add3A_112 {strides = array<i32>} : memref<1x4xf32, #tpu.memory_space<vmem>>, vector<1x4xf32>,
    %broadcast_in_dim3A_116 = arith.constant 0.000000e+00 : f32
    %broadcast_in_dim3A_117 = vector.broadcast %broadcast_in_dim3A_116 : f32 to vector<896x4xf32>
    %slice3A_118 = vector.extract_strided_slice %concatenate3A_37 {offsets = [0, 1, 0], sizes = [8, 112, 64], strides = [1, 1, 1]} : vector<10x114x64xf32> to vector<8x112x64xf32>
    %reshape3A_119 = vector.shape_cast %slice3A_118 : vector<8x112x64xf32> to vector<896x64xf32>
    %get3A_120 = arith.constant 0 : index
    %get3A_121 = arith.constant 1 : index
    %get3A_122 = arith.constant 0 : index
    %get3A_123 = arith.constant 0 : index
    %get3A_124 = arith.constant 0 : index
    %get3A_125 = arith.constant 0 : index
    %get3A_126 = vector.load %arg4[%get3A_120, %get3A_121, %get3A_122, %get3A_123, %get3A_124, %get3A_125] : memref<2x2x2x2x64x4xf32, #tpu.memory_space<vmem>>, vector<1x1x1x1x64x4xf32>
    %get3A_127 = vector.shape_cast %get3A_126 : vector<1x1x1x1x64x4xf32> to vector<64x4xf32>
    %dot_general3A_128 = arith.constant dense<0.000000e+00> : vector<896x4xf32>
    %dot_general3A_129 = tpu.matmul %reshape3A_119, %get3A_127, %dot_general3A_128 {dimension_numbers = #tpu.dot_dimension_numbers<[1], [0], [0], [1], [0, 0, 1, 1], [], []>, transpose_lhs_hint = false} : vector<896x64xf32>, vector<64x4xf32>, vector<896x4xf32> -> vector<896x4xf32>
    %add3A_130 = arith.addf %broadcast_in_dim3A_117, %dot_general3A_129 : vector<896x4xf32>
    %slice3A_131 = vector.extract_strided_slice %concatenate3A_37 {offsets = [0, 2, 0], sizes = [8, 112, 64], strides = [1, 1, 1]} : vector<10x114x64xf32> to vector<8x112x64xf32>
    %reshape3A_132 = vector.shape_cast %slice3A_131 : vector<8x112x64xf32> to vector<896x64xf32>
    %get3A_133 = arith.constant 0 : index
    %get3A_134 = arith.constant 1 : index
    %get3A_135 = arith.constant 0 : index
    %get3A_136 = arith.constant 1 : index
    %get3A_137 = arith.constant 0 : index
    %get3A_138 = arith.constant 0 : index
    %get3A_139 = vector.load %arg4[%get3A_133, %get3A_134, %get3A_135, %get3A_136, %get3A_137, %get3A_138] : memref<2x2x2x2x64x4xf32, #tpu.memory_space<vmem>>, vector<1x1x1x1x64x4xf32>
    %get3A_140 = vector.shape_cast %get3A_139 : vector<1x1x1x1x64x4xf32> to vector<64x4xf32>
    %dot_general3A_141 = arith.constant dense<0.000000e+00> : vector<896x4xf32>
    %dot_general3A_142 = tpu.matmul %reshape3A_132, %get3A_140, %dot_general3A_141 {dimension_numbers = #tpu.dot_dimension_numbers<[1], [0], [0], [1], [0, 0, 1, 1], [], []>, transpose_lhs_hint = false} : vector<896x64xf32>, vector<64x4xf32>, vector<896x4xf32> -> vector<896x4xf32>
    %add3A_143 = arith.addf %add3A_130, %dot_general3A_142 : vector<896x4xf32>
    %slice3A_144 = vector.extract_strided_slice %concatenate3A_37 {offsets = [1, 1, 0], sizes = [8, 112, 64], strides = [1, 1, 1]} : vector<10x114x64xf32> to vector<8x112x64xf32>
    %reshape3A_145 = vector.shape_cast %slice3A_144 : vector<8x112x64xf32> to vector<896x64xf32>
    %get3A_146 = arith.constant 0 : index
    %get3A_147 = arith.constant 1 : index
    %get3A_148 = arith.constant 1 : index
    %get3A_149 = arith.constant 0 : index
    %get3A_150 = arith.constant 0 : index
    %get3A_151 = arith.constant 0 : index
    %get3A_152 = vector.load %arg4[%get3A_146, %get3A_147, %get3A_148, %get3A_149, %get3A_150, %get3A_151] : memref<2x2x2x2x64x4xf32, #tpu.memory_space<vmem>>, vector<1x1x1x1x64x4xf32>
    %get3A_153 = vector.shape_cast %get3A_152 : vector<1x1x1x1x64x4xf32> to vector<64x4xf32>
    %dot_general3A_154 = arith.constant dense<0.000000e+00> : vector<896x4xf32>
    %dot_general3A_155 = tpu.matmul %reshape3A_145, %get3A_153, %dot_general3A_154 {dimension_numbers = #tpu.dot_dimension_numbers<[1], [0], [0], [1], [0, 0, 1, 1], [], []>, transpose_lhs_hint = false} : vector<896x64xf32>, vector<64x4xf32>, vector<896x4xf32> -> vector<896x4xf32>
    %add3A_156 = arith.addf %add3A_143, %dot_general3A_155 : vector<896x4xf32>
    %slice3A_157 = vector.extract_strided_slice %concatenate3A_37 {offsets = [1, 2, 0], sizes = [8, 112, 64], strides = [1, 1, 1]} : vector<10x114x64xf32> to vector<8x112x64xf32>
    %reshape3A_158 = vector.shape_cast %slice3A_157 : vector<8x112x64xf32> to vector<896x64xf32>
    %get3A_159 = arith.constant 0 : index
    %get3A_160 = arith.constant 1 : index
    %get3A_161 = arith.constant 1 : index
    %get3A_162 = arith.constant 1 : index
    %get3A_163 = arith.constant 0 : index
    %get3A_164 = arith.constant 0 : index
    %get3A_165 = vector.load %arg4[%get3A_159, %get3A_160, %get3A_161, %get3A_162, %get3A_163, %get3A_164] : memref<2x2x2x2x64x4xf32, #tpu.memory_space<vmem>>, vector<1x1x1x1x64x4xf32>
    %get3A_166 = vector.shape_cast %get3A_165 : vector<1x1x1x1x64x4xf32> to vector<64x4xf32>
    %dot_general3A_167 = arith.constant dense<0.000000e+00> : vector<896x4xf32>
    %dot_general3A_168 = tpu.matmul %reshape3A_158, %get3A_166, %dot_general3A_167 {dimension_numbers = #tpu.dot_dimension_numbers<[1], [0], [0], [1], [0, 0, 1, 1], [], []>, transpose_lhs_hint = false} : vector<896x64xf32>, vector<64x4xf32>, vector<896x4xf32> -> vector<896x4xf32>
    %add3A_169 = arith.addf %add3A_156, %dot_general3A_168 : vector<896x4xf32>
    %reshape3A_170 = vector.shape_cast %add3A_169 : vector<896x4xf32> to vector<1x8x112x4xf32>
    %swap3A_171 = arith.constant 0 : index
    %swap3A_172 = arith.constant 0 : index
    %swap3A_173 = arith.constant 0 : index
    %swap3A_174 = arith.constant 0 : index
    %swap3A_175 = vector.load %arg6[%swap3A_171, %swap3A_172, %swap3A_173, %swap3A_174] : memref<1x8x112x4xf32, #tpu.memory_space<vmem>>, vector<1x8x112x4xf32>
    tpu.vector_store %arg6[%swap3A_171, %swap3A_172, %swap3A_173, %swap3A_174], %reshape3A_170 {strides = array<i32>} : memref<1x8x112x4xf32, #tpu.memory_space<vmem>>, vector<1x8x112x4xf32>,
    %get3A_176 = arith.constant 0 : index
    %get3A_177 = arith.constant 0 : index
    %get3A_178 = vector.load %arg9[%get3A_176, %get3A_177] : memref<1x4xf32, #tpu.memory_space<vmem>>, vector<1x4xf32>
    %reduce_sum3A_179 = arith.constant dense<0.000000e+00> : vector<4xf32>
    %reduce_sum3A_180 = vector.multi_reduction <add>, %add3A_169, %reduce_sum3A_179 [0] : vector<896x4xf32> to vector<4xf32>
    %broadcast_in_dim3A_181 = vector.shape_cast %reduce_sum3A_180 : vector<4xf32> to vector<1x4xf32>
    %add3A_182 = arith.addf %get3A_178, %broadcast_in_dim3A_181 : vector<1x4xf32>
    %swap3A_183 = arith.constant 0 : index
    %swap3A_184 = arith.constant 0 : index
    %swap3A_185 = vector.load %arg9[%swap3A_183, %swap3A_184] : memref<1x4xf32, #tpu.memory_space<vmem>>, vector<1x4xf32>
    tpu.vector_store %arg9[%swap3A_183, %swap3A_184], %add3A_182 {strides = array<i32>} : memref<1x4xf32, #tpu.memory_space<vmem>>, vector<1x4xf32>,
    %get3A_186 = arith.constant 0 : index
    %get3A_187 = arith.constant 0 : index
    %get3A_188 = vector.load %arg10[%get3A_186, %get3A_187] : memref<1x4xf32, #tpu.memory_space<vmem>>, vector<1x4xf32>
    %mul3A_189 = arith.mulf %add3A_169, %add3A_169 : vector<896x4xf32>
    %reduce_sum3A_190 = arith.constant dense<0.000000e+00> : vector<4xf32>
    %reduce_sum3A_191 = vector.multi_reduction <add>, %mul3A_189, %reduce_sum3A_190 [0] : vector<896x4xf32> to vector<4xf32>
    %broadcast_in_dim3A_192 = vector.shape_cast %reduce_sum3A_191 : vector<4xf32> to vector<1x4xf32>
    %add3A_193 = arith.addf %get3A_188, %broadcast_in_dim3A_192 : vector<1x4xf32>
    %swap3A_194 = arith.constant 0 : index
    %swap3A_195 = arith.constant 0 : index
    %swap3A_196 = vector.load %arg10[%swap3A_194, %swap3A_195] : memref<1x4xf32, #tpu.memory_space<vmem>>, vector<1x4xf32>
    tpu.vector_store %arg10[%swap3A_194, %swap3A_195], %add3A_193 {strides = array<i32>} : memref<1x4xf32, #tpu.memory_space<vmem>>, vector<1x4xf32>,
    %broadcast_in_dim3A_197 = arith.constant 0.000000e+00 : f32
    %broadcast_in_dim3A_198 = vector.broadcast %broadcast_in_dim3A_197 : f32 to vector<896x4xf32>
    %slice3A_199 = vector.extract_strided_slice %concatenate3A_37 {offsets = [1, 0, 0], sizes = [8, 112, 64], strides = [1, 1, 1]} : vector<10x114x64xf32> to vector<8x112x64xf32>
    %reshape3A_200 = vector.shape_cast %slice3A_199 : vector<8x112x64xf32> to vector<896x64xf32>
    %get3A_201 = arith.constant 1 : index
    %get3A_202 = arith.constant 0 : index
    %get3A_203 = arith.constant 0 : index
    %get3A_204 = arith.constant 0 : index
    %get3A_205 = arith.constant 0 : index
    %get3A_206 = arith.constant 0 : index
    %get3A_207 = vector.load %arg4[%get3A_201, %get3A_202, %get3A_203, %get3A_204, %get3A_205, %get3A_206] : memref<2x2x2x2x64x4xf32, #tpu.memory_space<vmem>>, vector<1x1x1x1x64x4xf32>
    %get3A_208 = vector.shape_cast %get3A_207 : vector<1x1x1x1x64x4xf32> to vector<64x4xf32>
    %dot_general3A_209 = arith.constant dense<0.000000e+00> : vector<896x4xf32>
    %dot_general3A_210 = tpu.matmul %reshape3A_200, %get3A_208, %dot_general3A_209 {dimension_numbers = #tpu.dot_dimension_numbers<[1], [0], [0], [1], [0, 0, 1, 1], [], []>, transpose_lhs_hint = false} : vector<896x64xf32>, vector<64x4xf32>, vector<896x4xf32> -> vector<896x4xf32>
    %add3A_211 = arith.addf %broadcast_in_dim3A_198, %dot_general3A_210 : vector<896x4xf32>
    %slice3A_212 = vector.extract_strided_slice %concatenate3A_37 {offsets = [1, 1, 0], sizes = [8, 112, 64], strides = [1, 1, 1]} : vector<10x114x64xf32> to vector<8x112x64xf32>
    %reshape3A_213 = vector.shape_cast %slice3A_212 : vector<8x112x64xf32> to vector<896x64xf32>
    %get3A_214 = arith.constant 1 : index
    %get3A_215 = arith.constant 0 : index
    %get3A_216 = arith.constant 0 : index
    %get3A_217 = arith.constant 1 : index
    %get3A_218 = arith.constant 0 : index
    %get3A_219 = arith.constant 0 : index
    %get3A_220 = vector.load %arg4[%get3A_214, %get3A_215, %get3A_216, %get3A_217, %get3A_218, %get3A_219] : memref<2x2x2x2x64x4xf32, #tpu.memory_space<vmem>>, vector<1x1x1x1x64x4xf32>
    %get3A_221 = vector.shape_cast %get3A_220 : vector<1x1x1x1x64x4xf32> to vector<64x4xf32>
    %dot_general3A_222 = arith.constant dense<0.000000e+00> : vector<896x4xf32>
    %dot_general3A_223 = tpu.matmul %reshape3A_213, %get3A_221, %dot_general3A_222 {dimension_numbers = #tpu.dot_dimension_numbers<[1], [0], [0], [1], [0, 0, 1, 1], [], []>, transpose_lhs_hint = false} : vector<896x64xf32>, vector<64x4xf32>, vector<896x4xf32> -> vector<896x4xf32>
    %add3A_224 = arith.addf %add3A_211, %dot_general3A_223 : vector<896x4xf32>
    %slice3A_225 = vector.extract_strided_slice %concatenate3A_37 {offsets = [2, 0, 0], sizes = [8, 112, 64], strides = [1, 1, 1]} : vector<10x114x64xf32> to vector<8x112x64xf32>
    %reshape3A_226 = vector.shape_cast %slice3A_225 : vector<8x112x64xf32> to vector<896x64xf32>
    %get3A_227 = arith.constant 1 : index
    %get3A_228 = arith.constant 0 : index
    %get3A_229 = arith.constant 1 : index
    %get3A_230 = arith.constant 0 : index
    %get3A_231 = arith.constant 0 : index
    %get3A_232 = arith.constant 0 : index
    %get3A_233 = vector.load %arg4[%get3A_227, %get3A_228, %get3A_229, %get3A_230, %get3A_231, %get3A_232] : memref<2x2x2x2x64x4xf32, #tpu.memory_space<vmem>>, vector<1x1x1x1x64x4xf32>
    %get3A_234 = vector.shape_cast %get3A_233 : vector<1x1x1x1x64x4xf32> to vector<64x4xf32>
    %dot_general3A_235 = arith.constant dense<0.000000e+00> : vector<896x4xf32>
    %dot_general3A_236 = tpu.matmul %reshape3A_226, %get3A_234, %dot_general3A_235 {dimension_numbers = #tpu.dot_dimension_numbers<[1], [0], [0], [1], [0, 0, 1, 1], [], []>, transpose_lhs_hint = false} : vector<896x64xf32>, vector<64x4xf32>, vector<896x4xf32> -> vector<896x4xf32>
    %add3A_237 = arith.addf %add3A_224, %dot_general3A_236 : vector<896x4xf32>
    %slice3A_238 = vector.extract_strided_slice %concatenate3A_37 {offsets = [2, 1, 0], sizes = [8, 112, 64], strides = [1, 1, 1]} : vector<10x114x64xf32> to vector<8x112x64xf32>
    %reshape3A_239 = vector.shape_cast %slice3A_238 : vector<8x112x64xf32> to vector<896x64xf32>
    %get3A_240 = arith.constant 1 : index
    %get3A_241 = arith.constant 0 : index
    %get3A_242 = arith.constant 1 : index
    %get3A_243 = arith.constant 1 : index
    %get3A_244 = arith.constant 0 : index
    %get3A_245 = arith.constant 0 : index
    %get3A_246 = vector.load %arg4[%get3A_240, %get3A_241, %get3A_242, %get3A_243, %get3A_244, %get3A_245] : memref<2x2x2x2x64x4xf32, #tpu.memory_space<vmem>>, vector<1x1x1x1x64x4xf32>
    %get3A_247 = vector.shape_cast %get3A_246 : vector<1x1x1x1x64x4xf32> to vector<64x4xf32>
    %dot_general3A_248 = arith.constant dense<0.000000e+00> : vector<896x4xf32>
    %dot_general3A_249 = tpu.matmul %reshape3A_239, %get3A_247, %dot_general3A_248 {dimension_numbers = #tpu.dot_dimension_numbers<[1], [0], [0], [1], [0, 0, 1, 1], [], []>, transpose_lhs_hint = false} : vector<896x64xf32>, vector<64x4xf32>, vector<896x4xf32> -> vector<896x4xf32>
    %add3A_250 = arith.addf %add3A_237, %dot_general3A_249 : vector<896x4xf32>
    %reshape3A_251 = vector.shape_cast %add3A_250 : vector<896x4xf32> to vector<1x8x112x4xf32>
    %swap3A_252 = arith.constant 0 : index
    %swap3A_253 = arith.constant 0 : index
    %swap3A_254 = arith.constant 0 : index
    %swap3A_255 = arith.constant 0 : index
    %swap3A_256 = vector.load %arg7[%swap3A_252, %swap3A_253, %swap3A_254, %swap3A_255] : memref<1x8x112x4xf32, #tpu.memory_space<vmem>>, vector<1x8x112x4xf32>
    tpu.vector_store %arg7[%swap3A_252, %swap3A_253, %swap3A_254, %swap3A_255], %reshape3A_251 {strides = array<i32>} : memref<1x8x112x4xf32, #tpu.memory_space<vmem>>, vector<1x8x112x4xf32>,
    %get3A_257 = arith.constant 0 : index
    %get3A_258 = arith.constant 0 : index
    %get3A_259 = vector.load %arg9[%get3A_257, %get3A_258] : memref<1x4xf32, #tpu.memory_space<vmem>>, vector<1x4xf32>
    %reduce_sum3A_260 = arith.constant dense<0.000000e+00> : vector<4xf32>
    %reduce_sum3A_261 = vector.multi_reduction <add>, %add3A_250, %reduce_sum3A_260 [0] : vector<896x4xf32> to vector<4xf32>
    %broadcast_in_dim3A_262 = vector.shape_cast %reduce_sum3A_261 : vector<4xf32> to vector<1x4xf32>
    %add3A_263 = arith.addf %get3A_259, %broadcast_in_dim3A_262 : vector<1x4xf32>
    %swap3A_264 = arith.constant 0 : index
    %swap3A_265 = arith.constant 0 : index
    %swap3A_266 = vector.load %arg9[%swap3A_264, %swap3A_265] : memref<1x4xf32, #tpu.memory_space<vmem>>, vector<1x4xf32>
    tpu.vector_store %arg9[%swap3A_264, %swap3A_265], %add3A_263 {strides = array<i32>} : memref<1x4xf32, #tpu.memory_space<vmem>>, vector<1x4xf32>,
    %get3A_267 = arith.constant 0 : index
    %get3A_268 = arith.constant 0 : index
    %get3A_269 = vector.load %arg10[%get3A_267, %get3A_268] : memref<1x4xf32, #tpu.memory_space<vmem>>, vector<1x4xf32>
    %mul3A_270 = arith.mulf %add3A_250, %add3A_250 : vector<896x4xf32>
    %reduce_sum3A_271 = arith.constant dense<0.000000e+00> : vector<4xf32>
    %reduce_sum3A_272 = vector.multi_reduction <add>, %mul3A_270, %reduce_sum3A_271 [0] : vector<896x4xf32> to vector<4xf32>
    %broadcast_in_dim3A_273 = vector.shape_cast %reduce_sum3A_272 : vector<4xf32> to vector<1x4xf32>
    %add3A_274 = arith.addf %get3A_269, %broadcast_in_dim3A_273 : vector<1x4xf32>
    %swap3A_275 = arith.constant 0 : index
    %swap3A_276 = arith.constant 0 : index
    %swap3A_277 = vector.load %arg10[%swap3A_275, %swap3A_276] : memref<1x4xf32, #tpu.memory_space<vmem>>, vector<1x4xf32>
    tpu.vector_store %arg10[%swap3A_275, %swap3A_276], %add3A_274 {strides = array<i32>} : memref<1x4xf32, #tpu.memory_space<vmem>>, vector<1x4xf32>,
    %broadcast_in_dim3A_278 = arith.constant 0.000000e+00 : f32
    %broadcast_in_dim3A_279 = vector.broadcast %broadcast_in_dim3A_278 : f32 to vector<896x4xf32>
    %slice3A_280 = vector.extract_strided_slice %concatenate3A_37 {offsets = [1, 1, 0], sizes = [8, 112, 64], strides = [1, 1, 1]} : vector<10x114x64xf32> to vector<8x112x64xf32>
    %reshape3A_281 = vector.shape_cast %slice3A_280 : vector<8x112x64xf32> to vector<896x64xf32>
    %get3A_282 = arith.constant 1 : index
    %get3A_283 = arith.constant 1 : index
    %get3A_284 = arith.constant 0 : index
    %get3A_285 = arith.constant 0 : index
    %get3A_286 = arith.constant 0 : index
    %get3A_287 = arith.constant 0 : index
    %get3A_288 = vector.load %arg4[%get3A_282, %get3A_283, %get3A_284, %get3A_285, %get3A_286, %get3A_287] : memref<2x2x2x2x64x4xf32, #tpu.memory_space<vmem>>, vector<1x1x1x1x64x4xf32>
    %get3A_289 = vector.shape_cast %get3A_288 : vector<1x1x1x1x64x4xf32> to vector<64x4xf32>
    %dot_general3A_290 = arith.constant dense<0.000000e+00> : vector<896x4xf32>
    %dot_general3A_291 = tpu.matmul %reshape3A_281, %get3A_289, %dot_general3A_290 {dimension_numbers = #tpu.dot_dimension_numbers<[1], [0], [0], [1], [0, 0, 1, 1], [], []>, transpose_lhs_hint = false} : vector<896x64xf32>, vector<64x4xf32>, vector<896x4xf32> -> vector<896x4xf32>
    %add3A_292 = arith.addf %broadcast_in_dim3A_279, %dot_general3A_291 : vector<896x4xf32>
    %slice3A_293 = vector.extract_strided_slice %concatenate3A_37 {offsets = [1, 2, 0], sizes = [8, 112, 64], strides = [1, 1, 1]} : vector<10x114x64xf32> to vector<8x112x64xf32>
    %reshape3A_294 = vector.shape_cast %slice3A_293 : vector<8x112x64xf32> to vector<896x64xf32>
    %get3A_295 = arith.constant 1 : index
    %get3A_296 = arith.constant 1 : index
    %get3A_297 = arith.constant 0 : index
    %get3A_298 = arith.constant 1 : index
    %get3A_299 = arith.constant 0 : index
    %get3A_300 = arith.constant 0 : index
    %get3A_301 = vector.load %arg4[%get3A_295, %get3A_296, %get3A_297, %get3A_298, %get3A_299, %get3A_300] : memref<2x2x2x2x64x4xf32, #tpu.memory_space<vmem>>, vector<1x1x1x1x64x4xf32>
    %get3A_302 = vector.shape_cast %get3A_301 : vector<1x1x1x1x64x4xf32> to vector<64x4xf32>
    %dot_general3A_303 = arith.constant dense<0.000000e+00> : vector<896x4xf32>
    %dot_general3A_304 = tpu.matmul %reshape3A_294, %get3A_302, %dot_general3A_303 {dimension_numbers = #tpu.dot_dimension_numbers<[1], [0], [0], [1], [0, 0, 1, 1], [], []>, transpose_lhs_hint = false} : vector<896x64xf32>, vector<64x4xf32>, vector<896x4xf32> -> vector<896x4xf32>
    %add3A_305 = arith.addf %add3A_292, %dot_general3A_304 : vector<896x4xf32>
    %slice3A_306 = vector.extract_strided_slice %concatenate3A_37 {offsets = [2, 1, 0], sizes = [8, 112, 64], strides = [1, 1, 1]} : vector<10x114x64xf32> to vector<8x112x64xf32>
    %reshape3A_307 = vector.shape_cast %slice3A_306 : vector<8x112x64xf32> to vector<896x64xf32>
    %get3A_308 = arith.constant 1 : index
    %get3A_309 = arith.constant 1 : index
    %get3A_310 = arith.constant 1 : index
    %get3A_311 = arith.constant 0 : index
    %get3A_312 = arith.constant 0 : index
    %get3A_313 = arith.constant 0 : index
    %get3A_314 = vector.load %arg4[%get3A_308, %get3A_309, %get3A_310, %get3A_311, %get3A_312, %get3A_313] : memref<2x2x2x2x64x4xf32, #tpu.memory_space<vmem>>, vector<1x1x1x1x64x4xf32>
    %get3A_315 = vector.shape_cast %get3A_314 : vector<1x1x1x1x64x4xf32> to vector<64x4xf32>
    %dot_general3A_316 = arith.constant dense<0.000000e+00> : vector<896x4xf32>
    %dot_general3A_317 = tpu.matmul %reshape3A_307, %get3A_315, %dot_general3A_316 {dimension_numbers = #tpu.dot_dimension_numbers<[1], [0], [0], [1], [0, 0, 1, 1], [], []>, transpose_lhs_hint = false} : vector<896x64xf32>, vector<64x4xf32>, vector<896x4xf32> -> vector<896x4xf32>
    %add3A_318 = arith.addf %add3A_305, %dot_general3A_317 : vector<896x4xf32>
    %slice3A_319 = vector.extract_strided_slice %concatenate3A_37 {offsets = [2, 2, 0], sizes = [8, 112, 64], strides = [1, 1, 1]} : vector<10x114x64xf32> to vector<8x112x64xf32>
    %reshape3A_320 = vector.shape_cast %slice3A_319 : vector<8x112x64xf32> to vector<896x64xf32>
    %get3A_321 = arith.constant 1 : index
    %get3A_322 = arith.constant 1 : index
    %get3A_323 = arith.constant 1 : index
    %get3A_324 = arith.constant 1 : index
    %get3A_325 = arith.constant 0 : index
    %get3A_326 = arith.constant 0 : index
    %get3A_327 = vector.load %arg4[%get3A_321, %get3A_322, %get3A_323, %get3A_324, %get3A_325, %get3A_326] : memref<2x2x2x2x64x4xf32, #tpu.memory_space<vmem>>, vector<1x1x1x1x64x4xf32>
    %get3A_328 = vector.shape_cast %get3A_327 : vector<1x1x1x1x64x4xf32> to vector<64x4xf32>
    %dot_general3A_329 = arith.constant dense<0.000000e+00> : vector<896x4xf32>
    %dot_general3A_330 = tpu.matmul %reshape3A_320, %get3A_328, %dot_general3A_329 {dimension_numbers = #tpu.dot_dimension_numbers<[1], [0], [0], [1], [0, 0, 1, 1], [], []>, transpose_lhs_hint = false} : vector<896x64xf32>, vector<64x4xf32>, vector<896x4xf32> -> vector<896x4xf32>
    %add3A_331 = arith.addf %add3A_318, %dot_general3A_330 : vector<896x4xf32>
    %reshape3A_332 = vector.shape_cast %add3A_331 : vector<896x4xf32> to vector<1x8x112x4xf32>
    %swap3A_333 = arith.constant 0 : index
    %swap3A_334 = arith.constant 0 : index
    %swap3A_335 = arith.constant 0 : index
    %swap3A_336 = arith.constant 0 : index
    %swap3A_337 = vector.load %arg8[%swap3A_333, %swap3A_334, %swap3A_335, %swap3A_336] : memref<1x8x112x4xf32, #tpu.memory_space<vmem>>, vector<1x8x112x4xf32>
    tpu.vector_store %arg8[%swap3A_333, %swap3A_334, %swap3A_335, %swap3A_336], %reshape3A_332 {strides = array<i32>} : memref<1x8x112x4xf32, #tpu.memory_space<vmem>>, vector<1x8x112x4xf32>,
    %get3A_338 = arith.constant 0 : index
    %get3A_339 = arith.constant 0 : index
    %get3A_340 = vector.load %arg9[%get3A_338, %get3A_339] : memref<1x4xf32, #tpu.memory_space<vmem>>, vector<1x4xf32>
    %reduce_sum3A_341 = arith.constant dense<0.000000e+00> : vector<4xf32>
    %reduce_sum3A_342 = vector.multi_reduction <add>, %add3A_331, %reduce_sum3A_341 [0] : vector<896x4xf32> to vector<4xf32>
    %broadcast_in_dim3A_343 = vector.shape_cast %reduce_sum3A_342 : vector<4xf32> to vector<1x4xf32>
    %add3A_344 = arith.addf %get3A_340, %broadcast_in_dim3A_343 : vector<1x4xf32>
    %swap3A_345 = arith.constant 0 : index
    %swap3A_346 = arith.constant 0 : index
    %swap3A_347 = vector.load %arg9[%swap3A_345, %swap3A_346] : memref<1x4xf32, #tpu.memory_space<vmem>>, vector<1x4xf32>
    tpu.vector_store %arg9[%swap3A_345, %swap3A_346], %add3A_344 {strides = array<i32>} : memref<1x4xf32, #tpu.memory_space<vmem>>, vector<1x4xf32>,
    %get3A_348 = arith.constant 0 : index
    %get3A_349 = arith.constant 0 : index
    %get3A_350 = vector.load %arg10[%get3A_348, %get3A_349] : memref<1x4xf32, #tpu.memory_space<vmem>>, vector<1x4xf32>
    %mul3A_351 = arith.mulf %add3A_331, %add3A_331 : vector<896x4xf32>
    %reduce_sum3A_352 = arith.constant dense<0.000000e+00> : vector<4xf32>
    %reduce_sum3A_353 = vector.multi_reduction <add>, %mul3A_351, %reduce_sum3A_352 [0] : vector<896x4xf32> to vector<4xf32>
    %broadcast_in_dim3A_354 = vector.shape_cast %reduce_sum3A_353 : vector<4xf32> to vector<1x4xf32>
    %add3A_355 = arith.addf %get3A_350, %broadcast_in_dim3A_354 : vector<1x4xf32>
    %swap3A_356 = arith.constant 0 : index
    %swap3A_357 = arith.constant 0 : index
    %swap3A_358 = vector.load %arg10[%swap3A_356, %swap3A_357] : memref<1x4xf32, #tpu.memory_space<vmem>>, vector<1x4xf32>
    tpu.vector_store %arg10[%swap3A_356, %swap3A_357], %add3A_355 {strides = array<i32>} : memref<1x4xf32, #tpu.memory_space<vmem>>, vector<1x4xf32>,
    return
  }
  func.func @transform_0(%arg0: i32) -> (i32, i32, i32, i32) {
    %c0_i32 = arith.constant 0 : i32
    %c0_i32_0 = arith.constant 0 : i32
    %c0_i32_1 = arith.constant 0 : i32
    %c0_i32_2 = arith.constant 0 : i32
    return %arg0, %c0_i32, %c0_i32_0, %c0_i32_1 : i32, i32, i32, i32
  }
  func.func @transform_1(%arg0: i32) -> (i32, i32, i32, i32) {
    %sub3A = arith.constant 1 : i32
    %sub3A_0 = arith.subi %arg0, %sub3A : i32
    %max3A = arith.constant 0 : i32
    %max3A_1 = arith.maxsi %sub3A_0, %max3A : i32
    %c0_i32 = arith.constant 0 : i32
    %c0_i32_2 = arith.constant 0 : i32
    %c0_i32_3 = arith.constant 0 : i32
    %c0_i32_4 = arith.constant 0 : i32
    return %max3A_1, %c0_i32, %c0_i32_2, %c0_i32_3 : i32, i32, i32, i32
  }
  func.func @transform_2(%arg0: i32) -> (i32, i32, i32, i32) {
    %add3A = arith.constant 1 : i32
    %add3A_0 = arith.addi %arg0, %add3A : i32
    %min3A = arith.constant 55 : i32
    %min3A_1 = arith.minsi %add3A_0, %min3A : i32
    %c0_i32 = arith.constant 0 : i32
    %c0_i32_2 = arith.constant 0 : i32
    %c0_i32_3 = arith.constant 0 : i32
    %c0_i32_4 = arith.constant 0 : i32
    return %min3A_1, %c0_i32, %c0_i32_2, %c0_i32_3 : i32, i32, i32, i32
  }
  func.func @transform_3(%arg0: i32) -> (i32, i32, i32, i32, i32, i32) {
    %c0_i32 = arith.constant 0 : i32
    %c0_i32_0 = arith.constant 0 : i32
    %c0_i32_1 = arith.constant 0 : i32
    %c0_i32_2 = arith.constant 0 : i32
    %c0_i32_3 = arith.constant 0 : i32
    %c0_i32_4 = arith.constant 0 : i32
    %c0_i32_5 = arith.constant 0 : i32
    return %c0_i32, %c0_i32_0, %c0_i32_1, %c0_i32_2, %c0_i32_3, %c0_i32_4 : i32, i32, i32, i32, i32, i32
  }
  func.func @transform_4(%arg0: i32) -> (i32, i32, i32, i32) {
    %jit3A = arith.constant 14 : i32
    %div3A = arith.divsi %arg0, %jit3A : i32
    %sign3A = arith.constant 0 : i32
    %sign3A_0 = arith.cmpi sgt, %arg0, %sign3A : i32
    %sign3A_1 = arith.extui %sign3A_0 : i1 to i32
    %sign3A_2 = arith.constant 0 : i32
    %sign3A_3 = arith.cmpi slt, %arg0, %sign3A_2 : i32
    %sign3A_4 = arith.extui %sign3A_3 : i1 to i32
    %sign3A_5 = arith.subi %sign3A_1, %sign3A_4 : i32
    %sign3A_6 = arith.constant 0 : i32
    %sign3A_7 = arith.cmpi sgt, %jit3A, %sign3A_6 : i32
    %sign3A_8 = arith.extui %sign3A_7 : i1 to i32
    %sign3A_9 = arith.constant 0 : i32
    %sign3A_10 = arith.cmpi slt, %jit3A, %sign3A_9 : i32
    %sign3A_11 = arith.extui %sign3A_10 : i1 to i32
    %sign3A_12 = arith.subi %sign3A_8, %sign3A_11 : i32
    %ne3A = arith.cmpi ne, %sign3A_5, %sign3A_12 : i32
    %rem3A = arith.remsi %arg0, %jit3A : i32
    %ne3A_13 = arith.constant 0 : i32
    %ne3A_14 = arith.cmpi ne, %rem3A, %ne3A_13 : i32
    %and3A = arith.andi %ne3A, %ne3A_14 : i1
    %sub3A = arith.constant 1 : i32
    %sub3A_15 = arith.subi %div3A, %sub3A : i32
    %select_n3A = arith.select %and3A, %sub3A_15, %div3A : i32
    %jit3A_16 = arith.constant 14 : i32
    %eq3A = arith.constant 0 : i32
    %eq3A_17 = arith.cmpi eq, %jit3A_16, %eq3A : i32
    %jit3A_18 = arith.constant 1 : i32
    %select_n3A_19 = arith.select %eq3A_17, %jit3A_18, %jit3A_16 : i32
    %rem3A_20 = arith.remsi %arg0, %select_n3A_19 : i32
    %ne3A_21 = arith.constant 0 : i32
    %ne3A_22 = arith.cmpi ne, %rem3A_20, %ne3A_21 : i32
    %lt3A = arith.constant 0 : i32
    %lt3A_23 = arith.cmpi slt, %rem3A_20, %lt3A : i32
    %lt3A_24 = arith.constant 0 : i32
    %lt3A_25 = arith.cmpi slt, %select_n3A_19, %lt3A_24 : i32
    %ne3A_26 = arith.xori %lt3A_23, %lt3A_25 : i1
    %and3A_27 = arith.andi %ne3A_26, %ne3A_22 : i1
    %add3A = arith.addi %rem3A_20, %select_n3A_19 : i32
    %select_n3A_28 = arith.select %and3A_27, %add3A, %rem3A_20 : i32
    %c0_i32 = arith.constant 0 : i32
    %c0_i32_29 = arith.constant 0 : i32
    %c0_i32_30 = arith.constant 0 : i32
    return %select_n3A, %select_n3A_28, %c0_i32, %c0_i32_29 : i32, i32, i32, i32
  }
  func.func @transform_5(%arg0: i32) -> (i32, i32, i32, i32) {
    %jit3A = arith.constant 14 : i32
    %div3A = arith.divsi %arg0, %jit3A : i32
    %sign3A = arith.constant 0 : i32
    %sign3A_0 = arith.cmpi sgt, %arg0, %sign3A : i32
    %sign3A_1 = arith.extui %sign3A_0 : i1 to i32
    %sign3A_2 = arith.constant 0 : i32
    %sign3A_3 = arith.cmpi slt, %arg0, %sign3A_2 : i32
    %sign3A_4 = arith.extui %sign3A_3 : i1 to i32
    %sign3A_5 = arith.subi %sign3A_1, %sign3A_4 : i32
    %sign3A_6 = arith.constant 0 : i32
    %sign3A_7 = arith.cmpi sgt, %jit3A, %sign3A_6 : i32
    %sign3A_8 = arith.extui %sign3A_7 : i1 to i32
    %sign3A_9 = arith.constant 0 : i32
    %sign3A_10 = arith.cmpi slt, %jit3A, %sign3A_9 : i32
    %sign3A_11 = arith.extui %sign3A_10 : i1 to i32
    %sign3A_12 = arith.subi %sign3A_8, %sign3A_11 : i32
    %ne3A = arith.cmpi ne, %sign3A_5, %sign3A_12 : i32
    %rem3A = arith.remsi %arg0, %jit3A : i32
    %ne3A_13 = arith.constant 0 : i32
    %ne3A_14 = arith.cmpi ne, %rem3A, %ne3A_13 : i32
    %and3A = arith.andi %ne3A, %ne3A_14 : i1
    %sub3A = arith.constant 1 : i32
    %sub3A_15 = arith.subi %div3A, %sub3A : i32
    %select_n3A = arith.select %and3A, %sub3A_15, %div3A : i32
    %jit3A_16 = arith.constant 14 : i32
    %eq3A = arith.constant 0 : i32
    %eq3A_17 = arith.cmpi eq, %jit3A_16, %eq3A : i32
    %jit3A_18 = arith.constant 1 : i32
    %select_n3A_19 = arith.select %eq3A_17, %jit3A_18, %jit3A_16 : i32
    %rem3A_20 = arith.remsi %arg0, %select_n3A_19 : i32
    %ne3A_21 = arith.constant 0 : i32
    %ne3A_22 = arith.cmpi ne, %rem3A_20, %ne3A_21 : i32
    %lt3A = arith.constant 0 : i32
    %lt3A_23 = arith.cmpi slt, %rem3A_20, %lt3A : i32
    %lt3A_24 = arith.constant 0 : i32
    %lt3A_25 = arith.cmpi slt, %select_n3A_19, %lt3A_24 : i32
    %ne3A_26 = arith.xori %lt3A_23, %lt3A_25 : i1
    %and3A_27 = arith.andi %ne3A_26, %ne3A_22 : i1
    %add3A = arith.addi %rem3A_20, %select_n3A_19 : i32
    %select_n3A_28 = arith.select %and3A_27, %add3A, %rem3A_20 : i32
    %c0_i32 = arith.constant 0 : i32
    %c0_i32_29 = arith.constant 0 : i32
    %c0_i32_30 = arith.constant 0 : i32
    return %select_n3A, %select_n3A_28, %c0_i32, %c0_i32_29 : i32, i32, i32, i32
  }
  func.func @transform_6(%arg0: i32) -> (i32, i32, i32, i32) {
    %jit3A = arith.constant 14 : i32
    %div3A = arith.divsi %arg0, %jit3A : i32
    %sign3A = arith.constant 0 : i32
    %sign3A_0 = arith.cmpi sgt, %arg0, %sign3A : i32
    %sign3A_1 = arith.extui %sign3A_0 : i1 to i32
    %sign3A_2 = arith.constant 0 : i32
    %sign3A_3 = arith.cmpi slt, %arg0, %sign3A_2 : i32
    %sign3A_4 = arith.extui %sign3A_3 : i1 to i32
    %sign3A_5 = arith.subi %sign3A_1, %sign3A_4 : i32
    %sign3A_6 = arith.constant 0 : i32
    %sign3A_7 = arith.cmpi sgt, %jit3A, %sign3A_6 : i32
    %sign3A_8 = arith.extui %sign3A_7 : i1 to i32
    %sign3A_9 = arith.constant 0 : i32
    %sign3A_10 = arith.cmpi slt, %jit3A, %sign3A_9 : i32
    %sign3A_11 = arith.extui %sign3A_10 : i1 to i32
    %sign3A_12 = arith.subi %sign3A_8, %sign3A_11 : i32
    %ne3A = arith.cmpi ne, %sign3A_5, %sign3A_12 : i32
    %rem3A = arith.remsi %arg0, %jit3A : i32
    %ne3A_13 = arith.constant 0 : i32
    %ne3A_14 = arith.cmpi ne, %rem3A, %ne3A_13 : i32
    %and3A = arith.andi %ne3A, %ne3A_14 : i1
    %sub3A = arith.constant 1 : i32
    %sub3A_15 = arith.subi %div3A, %sub3A : i32
    %select_n3A = arith.select %and3A, %sub3A_15, %div3A : i32
    %jit3A_16 = arith.constant 14 : i32
    %eq3A = arith.constant 0 : i32
    %eq3A_17 = arith.cmpi eq, %jit3A_16, %eq3A : i32
    %jit3A_18 = arith.constant 1 : i32
    %select_n3A_19 = arith.select %eq3A_17, %jit3A_18, %jit3A_16 : i32
    %rem3A_20 = arith.remsi %arg0, %select_n3A_19 : i32
    %ne3A_21 = arith.constant 0 : i32
    %ne3A_22 = arith.cmpi ne, %rem3A_20, %ne3A_21 : i32
    %lt3A = arith.constant 0 : i32
    %lt3A_23 = arith.cmpi slt, %rem3A_20, %lt3A : i32
    %lt3A_24 = arith.constant 0 : i32
    %lt3A_25 = arith.cmpi slt, %select_n3A_19, %lt3A_24 : i32
    %ne3A_26 = arith.xori %lt3A_23, %lt3A_25 : i1
    %and3A_27 = arith.andi %ne3A_26, %ne3A_22 : i1
    %add3A = arith.addi %rem3A_20, %select_n3A_19 : i32
    %select_n3A_28 = arith.select %and3A_27, %add3A, %rem3A_20 : i32
    %c0_i32 = arith.constant 0 : i32
    %c0_i32_29 = arith.constant 0 : i32
    %c0_i32_30 = arith.constant 0 : i32
    return %select_n3A, %select_n3A_28, %c0_i32, %c0_i32_29 : i32, i32, i32, i32
  }
  func.func @transform_7(%arg0: i32) -> (i32, i32, i32, i32) {
    %jit3A = arith.constant 14 : i32
    %div3A = arith.divsi %arg0, %jit3A : i32
    %sign3A = arith.constant 0 : i32
    %sign3A_0 = arith.cmpi sgt, %arg0, %sign3A : i32
    %sign3A_1 = arith.extui %sign3A_0 : i1 to i32
    %sign3A_2 = arith.constant 0 : i32
    %sign3A_3 = arith.cmpi slt, %arg0, %sign3A_2 : i32
    %sign3A_4 = arith.extui %sign3A_3 : i1 to i32
    %sign3A_5 = arith.subi %sign3A_1, %sign3A_4 : i32
    %sign3A_6 = arith.constant 0 : i32
    %sign3A_7 = arith.cmpi sgt, %jit3A, %sign3A_6 : i32
    %sign3A_8 = arith.extui %sign3A_7 : i1 to i32
    %sign3A_9 = arith.constant 0 : i32
    %sign3A_10 = arith.cmpi slt, %jit3A, %sign3A_9 : i32
    %sign3A_11 = arith.extui %sign3A_10 : i1 to i32
    %sign3A_12 = arith.subi %sign3A_8, %sign3A_11 : i32
    %ne3A = arith.cmpi ne, %sign3A_5, %sign3A_12 : i32
    %rem3A = arith.remsi %arg0, %jit3A : i32
    %ne3A_13 = arith.constant 0 : i32
    %ne3A_14 = arith.cmpi ne, %rem3A, %ne3A_13 : i32
    %and3A = arith.andi %ne3A, %ne3A_14 : i1
    %sub3A = arith.constant 1 : i32
    %sub3A_15 = arith.subi %div3A, %sub3A : i32
    %select_n3A = arith.select %and3A, %sub3A_15, %div3A : i32
    %jit3A_16 = arith.constant 14 : i32
    %eq3A = arith.constant 0 : i32
    %eq3A_17 = arith.cmpi eq, %jit3A_16, %eq3A : i32
    %jit3A_18 = arith.constant 1 : i32
    %select_n3A_19 = arith.select %eq3A_17, %jit3A_18, %jit3A_16 : i32
    %rem3A_20 = arith.remsi %arg0, %select_n3A_19 : i32
    %ne3A_21 = arith.constant 0 : i32
    %ne3A_22 = arith.cmpi ne, %rem3A_20, %ne3A_21 : i32
    %lt3A = arith.constant 0 : i32
    %lt3A_23 = arith.cmpi slt, %rem3A_20, %lt3A : i32
    %lt3A_24 = arith.constant 0 : i32
    %lt3A_25 = arith.cmpi slt, %select_n3A_19, %lt3A_24 : i32
    %ne3A_26 = arith.xori %lt3A_23, %lt3A_25 : i1
    %and3A_27 = arith.andi %ne3A_26, %ne3A_22 : i1
    %add3A = arith.addi %rem3A_20, %select_n3A_19 : i32
    %select_n3A_28 = arith.select %and3A_27, %add3A, %rem3A_20 : i32
    %c0_i32 = arith.constant 0 : i32
    %c0_i32_29 = arith.constant 0 : i32
    %c0_i32_30 = arith.constant 0 : i32
    return %select_n3A, %select_n3A_28, %c0_i32, %c0_i32_29 : i32, i32, i32, i32
  }
  func.func @transform_8(%arg0: i32) -> (i32, i32) {
    %c0_i32 = arith.constant 0 : i32
    %c0_i32_0 = arith.constant 0 : i32
    %c0_i32_1 = arith.constant 0 : i32
    return %c0_i32, %c0_i32_0 : i32, i32
  }
  func.func @transform_9(%arg0: i32) -> (i32, i32) {
    %c0_i32 = arith.constant 0 : i32
    %c0_i32_0 = arith.constant 0 : i32
    %c0_i32_1 = arith.constant 0 : i32
    return %c0_i32, %c0_i32_0 : i32, i32
  }
}

module attributes {stable_mosaic.version = 14 : i64} {
  func.func @_finish_kernel(%arg0: i32, %arg1: memref<1x8x112x4xf32, #tpu.memory_space<vmem>>, %arg2: memref<1x8x112x4xf32, #tpu.memory_space<vmem>>, %arg3: memref<1x8x112x4xf32, #tpu.memory_space<vmem>>, %arg4: memref<1x8x112x4xf32, #tpu.memory_space<vmem>>, %arg5: memref<1x4xf32, #tpu.memory_space<vmem>>, %arg6: memref<1x4xf32, #tpu.memory_space<vmem>>, %arg7: memref<1x4xf32, #tpu.memory_space<vmem>>, %arg8: memref<1x4xf32, #tpu.memory_space<vmem>>, %arg9: memref<1x8x112x4xf32, #tpu.memory_space<vmem>>, %arg10: memref<1x8x112x4xf32, #tpu.memory_space<vmem>>, %arg11: memref<1x8x112x4xf32, #tpu.memory_space<vmem>>, %arg12: memref<1x8x112x4xf32, #tpu.memory_space<vmem>>) attributes {dimension_semantics = [#tpu.dimension_semantics<arbitrary>], iteration_bounds = array<i64: 56>, scalar_prefetch = 0 : i64, scratch_operands = 0 : i64, tpu.core_type = #tpu.core_type<tc>, window_params = [{transform_indices = @transform_0, window_bounds = array<i64: 1, 8, 112, 4>}, {transform_indices = @transform_1, window_bounds = array<i64: 1, 8, 112, 4>}, {transform_indices = @transform_2, window_bounds = array<i64: 1, 8, 112, 4>}, {transform_indices = @transform_3, window_bounds = array<i64: 1, 8, 112, 4>}, {pipeline_mode = #tpu.pipeline_mode<synchronous>, transform_indices = @transform_4, window_bounds = array<i64: 1, 4>}, {pipeline_mode = #tpu.pipeline_mode<synchronous>, transform_indices = @transform_5, window_bounds = array<i64: 1, 4>}, {pipeline_mode = #tpu.pipeline_mode<synchronous>, transform_indices = @transform_6, window_bounds = array<i64: 1, 4>}, {pipeline_mode = #tpu.pipeline_mode<synchronous>, transform_indices = @transform_7, window_bounds = array<i64: 1, 4>}, {transform_indices = @transform_8, window_bounds = array<i64: 1, 8, 112, 4>}, {transform_indices = @transform_9, window_bounds = array<i64: 1, 8, 112, 4>}, {transform_indices = @transform_10, window_bounds = array<i64: 1, 8, 112, 4>}, {transform_indices = @transform_11, window_bounds = array<i64: 1, 8, 112, 4>}]} {
    %get3A = arith.constant 0 : index
    %get3A_0 = arith.constant 0 : index
    %get3A_1 = vector.load %arg7[%get3A, %get3A_0] : memref<1x4xf32, #tpu.memory_space<vmem>>, vector<1x4xf32>
    %div3A = arith.constant 2.007040e+05 : f32
    %div3A_2 = vector.broadcast %div3A : f32 to vector<1x4xf32>
    %div3A_3 = arith.divf %get3A_1, %div3A_2 : vector<1x4xf32>
    %get3A_4 = arith.constant 0 : index
    %get3A_5 = arith.constant 0 : index
    %get3A_6 = vector.load %arg8[%get3A_4, %get3A_5] : memref<1x4xf32, #tpu.memory_space<vmem>>, vector<1x4xf32>
    %div3A_7 = arith.constant 2.007040e+05 : f32
    %div3A_8 = vector.broadcast %div3A_7 : f32 to vector<1x4xf32>
    %div3A_9 = arith.divf %get3A_6, %div3A_8 : vector<1x4xf32>
    %mul3A = arith.mulf %div3A_3, %div3A_3 : vector<1x4xf32>
    %sub3A = arith.subf %div3A_9, %mul3A : vector<1x4xf32>
    %get3A_10 = arith.constant 0 : index
    %get3A_11 = arith.constant 0 : index
    %get3A_12 = vector.load %arg5[%get3A_10, %get3A_11] : memref<1x4xf32, #tpu.memory_space<vmem>>, vector<1x4xf32>
    %add3A = arith.constant 9.99999974E-6 : f32
    %add3A_13 = vector.broadcast %add3A : f32 to vector<1x4xf32>
    %add3A_14 = arith.addf %sub3A, %add3A_13 : vector<1x4xf32>
    %rsqrt3A = math.rsqrt %add3A_14 : vector<1x4xf32>
    %mul3A_15 = arith.mulf %get3A_12, %rsqrt3A : vector<1x4xf32>
    %get3A_16 = arith.constant 0 : index
    %get3A_17 = arith.constant 0 : index
    %get3A_18 = vector.load %arg6[%get3A_16, %get3A_17] : memref<1x4xf32, #tpu.memory_space<vmem>>, vector<1x4xf32>
    %mul3A_19 = arith.mulf %div3A_3, %mul3A_15 : vector<1x4xf32>
    %sub3A_20 = arith.subf %get3A_18, %mul3A_19 : vector<1x4xf32>
    %get3A_21 = arith.constant 0 : index
    %get3A_22 = arith.constant 0 : index
    %get3A_23 = arith.constant 0 : index
    %get3A_24 = arith.constant 0 : index
    %get3A_25 = vector.load %arg1[%get3A_21, %get3A_22, %get3A_23, %get3A_24] : memref<1x8x112x4xf32, #tpu.memory_space<vmem>>, vector<1x8x112x4xf32>
    %broadcast_in_dim3A = vector.shape_cast %mul3A_15 : vector<1x4xf32> to vector<1x1x1x4xf32>
    %mul3A_26 = vector.broadcast %broadcast_in_dim3A : vector<1x1x1x4xf32> to vector<1x8x112x4xf32>
    %mul3A_27 = arith.mulf %get3A_25, %mul3A_26 : vector<1x8x112x4xf32>
    %broadcast_in_dim3A_28 = vector.shape_cast %sub3A_20 : vector<1x4xf32> to vector<1x1x1x4xf32>
    %add3A_29 = vector.broadcast %broadcast_in_dim3A_28 : vector<1x1x1x4xf32> to vector<1x8x112x4xf32>
    %add3A_30 = arith.addf %mul3A_27, %add3A_29 : vector<1x8x112x4xf32>
    %tanh3A = math.tanh %add3A_30 : vector<1x8x112x4xf32>
    %swap3A = arith.constant 0 : index
    %swap3A_31 = arith.constant 0 : index
    %swap3A_32 = arith.constant 0 : index
    %swap3A_33 = arith.constant 0 : index
    %swap3A_34 = vector.load %arg9[%swap3A, %swap3A_31, %swap3A_32, %swap3A_33] : memref<1x8x112x4xf32, #tpu.memory_space<vmem>>, vector<1x8x112x4xf32>
    tpu.vector_store %arg9[%swap3A, %swap3A_31, %swap3A_32, %swap3A_33], %tanh3A {strides = array<i32>} : memref<1x8x112x4xf32, #tpu.memory_space<vmem>>, vector<1x8x112x4xf32>,
    %get3A_35 = arith.constant 0 : index
    %get3A_36 = arith.constant 0 : index
    %get3A_37 = arith.constant 0 : index
    %get3A_38 = arith.constant 0 : index
    %get3A_39 = vector.load %arg2[%get3A_35, %get3A_36, %get3A_37, %get3A_38] : memref<1x8x112x4xf32, #tpu.memory_space<vmem>>, vector<1x8x112x4xf32>
    %broadcast_in_dim3A_40 = vector.shape_cast %mul3A_15 : vector<1x4xf32> to vector<1x1x1x4xf32>
    %mul3A_41 = vector.broadcast %broadcast_in_dim3A_40 : vector<1x1x1x4xf32> to vector<1x8x112x4xf32>
    %mul3A_42 = arith.mulf %get3A_39, %mul3A_41 : vector<1x8x112x4xf32>
    %broadcast_in_dim3A_43 = vector.shape_cast %sub3A_20 : vector<1x4xf32> to vector<1x1x1x4xf32>
    %add3A_44 = vector.broadcast %broadcast_in_dim3A_43 : vector<1x1x1x4xf32> to vector<1x8x112x4xf32>
    %add3A_45 = arith.addf %mul3A_42, %add3A_44 : vector<1x8x112x4xf32>
    %tanh3A_46 = math.tanh %add3A_45 : vector<1x8x112x4xf32>
    %swap3A_47 = arith.constant 0 : index
    %swap3A_48 = arith.constant 0 : index
    %swap3A_49 = arith.constant 0 : index
    %swap3A_50 = arith.constant 0 : index
    %swap3A_51 = vector.load %arg10[%swap3A_47, %swap3A_48, %swap3A_49, %swap3A_50] : memref<1x8x112x4xf32, #tpu.memory_space<vmem>>, vector<1x8x112x4xf32>
    tpu.vector_store %arg10[%swap3A_47, %swap3A_48, %swap3A_49, %swap3A_50], %tanh3A_46 {strides = array<i32>} : memref<1x8x112x4xf32, #tpu.memory_space<vmem>>, vector<1x8x112x4xf32>,
    %get3A_52 = arith.constant 0 : index
    %get3A_53 = arith.constant 0 : index
    %get3A_54 = arith.constant 0 : index
    %get3A_55 = arith.constant 0 : index
    %get3A_56 = vector.load %arg3[%get3A_52, %get3A_53, %get3A_54, %get3A_55] : memref<1x8x112x4xf32, #tpu.memory_space<vmem>>, vector<1x8x112x4xf32>
    %broadcast_in_dim3A_57 = vector.shape_cast %mul3A_15 : vector<1x4xf32> to vector<1x1x1x4xf32>
    %mul3A_58 = vector.broadcast %broadcast_in_dim3A_57 : vector<1x1x1x4xf32> to vector<1x8x112x4xf32>
    %mul3A_59 = arith.mulf %get3A_56, %mul3A_58 : vector<1x8x112x4xf32>
    %broadcast_in_dim3A_60 = vector.shape_cast %sub3A_20 : vector<1x4xf32> to vector<1x1x1x4xf32>
    %add3A_61 = vector.broadcast %broadcast_in_dim3A_60 : vector<1x1x1x4xf32> to vector<1x8x112x4xf32>
    %add3A_62 = arith.addf %mul3A_59, %add3A_61 : vector<1x8x112x4xf32>
    %tanh3A_63 = math.tanh %add3A_62 : vector<1x8x112x4xf32>
    %swap3A_64 = arith.constant 0 : index
    %swap3A_65 = arith.constant 0 : index
    %swap3A_66 = arith.constant 0 : index
    %swap3A_67 = arith.constant 0 : index
    %swap3A_68 = vector.load %arg11[%swap3A_64, %swap3A_65, %swap3A_66, %swap3A_67] : memref<1x8x112x4xf32, #tpu.memory_space<vmem>>, vector<1x8x112x4xf32>
    tpu.vector_store %arg11[%swap3A_64, %swap3A_65, %swap3A_66, %swap3A_67], %tanh3A_63 {strides = array<i32>} : memref<1x8x112x4xf32, #tpu.memory_space<vmem>>, vector<1x8x112x4xf32>,
    %get3A_69 = arith.constant 0 : index
    %get3A_70 = arith.constant 0 : index
    %get3A_71 = arith.constant 0 : index
    %get3A_72 = arith.constant 0 : index
    %get3A_73 = vector.load %arg4[%get3A_69, %get3A_70, %get3A_71, %get3A_72] : memref<1x8x112x4xf32, #tpu.memory_space<vmem>>, vector<1x8x112x4xf32>
    %broadcast_in_dim3A_74 = vector.shape_cast %mul3A_15 : vector<1x4xf32> to vector<1x1x1x4xf32>
    %mul3A_75 = vector.broadcast %broadcast_in_dim3A_74 : vector<1x1x1x4xf32> to vector<1x8x112x4xf32>
    %mul3A_76 = arith.mulf %get3A_73, %mul3A_75 : vector<1x8x112x4xf32>
    %broadcast_in_dim3A_77 = vector.shape_cast %sub3A_20 : vector<1x4xf32> to vector<1x1x1x4xf32>
    %add3A_78 = vector.broadcast %broadcast_in_dim3A_77 : vector<1x1x1x4xf32> to vector<1x8x112x4xf32>
    %add3A_79 = arith.addf %mul3A_76, %add3A_78 : vector<1x8x112x4xf32>
    %tanh3A_80 = math.tanh %add3A_79 : vector<1x8x112x4xf32>
    %swap3A_81 = arith.constant 0 : index
    %swap3A_82 = arith.constant 0 : index
    %swap3A_83 = arith.constant 0 : index
    %swap3A_84 = arith.constant 0 : index
    %swap3A_85 = vector.load %arg12[%swap3A_81, %swap3A_82, %swap3A_83, %swap3A_84] : memref<1x8x112x4xf32, #tpu.memory_space<vmem>>, vector<1x8x112x4xf32>
    tpu.vector_store %arg12[%swap3A_81, %swap3A_82, %swap3A_83, %swap3A_84], %tanh3A_80 {strides = array<i32>} : memref<1x8x112x4xf32, #tpu.memory_space<vmem>>, vector<1x8x112x4xf32>,
    return
  }
  func.func @transform_0(%arg0: i32) -> (i32, i32, i32, i32) {
    %jit3A = arith.constant 14 : i32
    %div3A = arith.divsi %arg0, %jit3A : i32
    %sign3A = arith.constant 0 : i32
    %sign3A_0 = arith.cmpi sgt, %arg0, %sign3A : i32
    %sign3A_1 = arith.extui %sign3A_0 : i1 to i32
    %sign3A_2 = arith.constant 0 : i32
    %sign3A_3 = arith.cmpi slt, %arg0, %sign3A_2 : i32
    %sign3A_4 = arith.extui %sign3A_3 : i1 to i32
    %sign3A_5 = arith.subi %sign3A_1, %sign3A_4 : i32
    %sign3A_6 = arith.constant 0 : i32
    %sign3A_7 = arith.cmpi sgt, %jit3A, %sign3A_6 : i32
    %sign3A_8 = arith.extui %sign3A_7 : i1 to i32
    %sign3A_9 = arith.constant 0 : i32
    %sign3A_10 = arith.cmpi slt, %jit3A, %sign3A_9 : i32
    %sign3A_11 = arith.extui %sign3A_10 : i1 to i32
    %sign3A_12 = arith.subi %sign3A_8, %sign3A_11 : i32
    %ne3A = arith.cmpi ne, %sign3A_5, %sign3A_12 : i32
    %rem3A = arith.remsi %arg0, %jit3A : i32
    %ne3A_13 = arith.constant 0 : i32
    %ne3A_14 = arith.cmpi ne, %rem3A, %ne3A_13 : i32
    %and3A = arith.andi %ne3A, %ne3A_14 : i1
    %sub3A = arith.constant 1 : i32
    %sub3A_15 = arith.subi %div3A, %sub3A : i32
    %select_n3A = arith.select %and3A, %sub3A_15, %div3A : i32
    %jit3A_16 = arith.constant 14 : i32
    %eq3A = arith.constant 0 : i32
    %eq3A_17 = arith.cmpi eq, %jit3A_16, %eq3A : i32
    %jit3A_18 = arith.constant 1 : i32
    %select_n3A_19 = arith.select %eq3A_17, %jit3A_18, %jit3A_16 : i32
    %rem3A_20 = arith.remsi %arg0, %select_n3A_19 : i32
    %ne3A_21 = arith.constant 0 : i32
    %ne3A_22 = arith.cmpi ne, %rem3A_20, %ne3A_21 : i32
    %lt3A = arith.constant 0 : i32
    %lt3A_23 = arith.cmpi slt, %rem3A_20, %lt3A : i32
    %lt3A_24 = arith.constant 0 : i32
    %lt3A_25 = arith.cmpi slt, %select_n3A_19, %lt3A_24 : i32
    %ne3A_26 = arith.xori %lt3A_23, %lt3A_25 : i1
    %and3A_27 = arith.andi %ne3A_26, %ne3A_22 : i1
    %add3A = arith.addi %rem3A_20, %select_n3A_19 : i32
    %select_n3A_28 = arith.select %and3A_27, %add3A, %rem3A_20 : i32
    %c0_i32 = arith.constant 0 : i32
    %c0_i32_29 = arith.constant 0 : i32
    %c0_i32_30 = arith.constant 0 : i32
    return %select_n3A, %select_n3A_28, %c0_i32, %c0_i32_29 : i32, i32, i32, i32
  }
  func.func @transform_1(%arg0: i32) -> (i32, i32, i32, i32) {
    %jit3A = arith.constant 14 : i32
    %div3A = arith.divsi %arg0, %jit3A : i32
    %sign3A = arith.constant 0 : i32
    %sign3A_0 = arith.cmpi sgt, %arg0, %sign3A : i32
    %sign3A_1 = arith.extui %sign3A_0 : i1 to i32
    %sign3A_2 = arith.constant 0 : i32
    %sign3A_3 = arith.cmpi slt, %arg0, %sign3A_2 : i32
    %sign3A_4 = arith.extui %sign3A_3 : i1 to i32
    %sign3A_5 = arith.subi %sign3A_1, %sign3A_4 : i32
    %sign3A_6 = arith.constant 0 : i32
    %sign3A_7 = arith.cmpi sgt, %jit3A, %sign3A_6 : i32
    %sign3A_8 = arith.extui %sign3A_7 : i1 to i32
    %sign3A_9 = arith.constant 0 : i32
    %sign3A_10 = arith.cmpi slt, %jit3A, %sign3A_9 : i32
    %sign3A_11 = arith.extui %sign3A_10 : i1 to i32
    %sign3A_12 = arith.subi %sign3A_8, %sign3A_11 : i32
    %ne3A = arith.cmpi ne, %sign3A_5, %sign3A_12 : i32
    %rem3A = arith.remsi %arg0, %jit3A : i32
    %ne3A_13 = arith.constant 0 : i32
    %ne3A_14 = arith.cmpi ne, %rem3A, %ne3A_13 : i32
    %and3A = arith.andi %ne3A, %ne3A_14 : i1
    %sub3A = arith.constant 1 : i32
    %sub3A_15 = arith.subi %div3A, %sub3A : i32
    %select_n3A = arith.select %and3A, %sub3A_15, %div3A : i32
    %jit3A_16 = arith.constant 14 : i32
    %eq3A = arith.constant 0 : i32
    %eq3A_17 = arith.cmpi eq, %jit3A_16, %eq3A : i32
    %jit3A_18 = arith.constant 1 : i32
    %select_n3A_19 = arith.select %eq3A_17, %jit3A_18, %jit3A_16 : i32
    %rem3A_20 = arith.remsi %arg0, %select_n3A_19 : i32
    %ne3A_21 = arith.constant 0 : i32
    %ne3A_22 = arith.cmpi ne, %rem3A_20, %ne3A_21 : i32
    %lt3A = arith.constant 0 : i32
    %lt3A_23 = arith.cmpi slt, %rem3A_20, %lt3A : i32
    %lt3A_24 = arith.constant 0 : i32
    %lt3A_25 = arith.cmpi slt, %select_n3A_19, %lt3A_24 : i32
    %ne3A_26 = arith.xori %lt3A_23, %lt3A_25 : i1
    %and3A_27 = arith.andi %ne3A_26, %ne3A_22 : i1
    %add3A = arith.addi %rem3A_20, %select_n3A_19 : i32
    %select_n3A_28 = arith.select %and3A_27, %add3A, %rem3A_20 : i32
    %c0_i32 = arith.constant 0 : i32
    %c0_i32_29 = arith.constant 0 : i32
    %c0_i32_30 = arith.constant 0 : i32
    return %select_n3A, %select_n3A_28, %c0_i32, %c0_i32_29 : i32, i32, i32, i32
  }
  func.func @transform_2(%arg0: i32) -> (i32, i32, i32, i32) {
    %jit3A = arith.constant 14 : i32
    %div3A = arith.divsi %arg0, %jit3A : i32
    %sign3A = arith.constant 0 : i32
    %sign3A_0 = arith.cmpi sgt, %arg0, %sign3A : i32
    %sign3A_1 = arith.extui %sign3A_0 : i1 to i32
    %sign3A_2 = arith.constant 0 : i32
    %sign3A_3 = arith.cmpi slt, %arg0, %sign3A_2 : i32
    %sign3A_4 = arith.extui %sign3A_3 : i1 to i32
    %sign3A_5 = arith.subi %sign3A_1, %sign3A_4 : i32
    %sign3A_6 = arith.constant 0 : i32
    %sign3A_7 = arith.cmpi sgt, %jit3A, %sign3A_6 : i32
    %sign3A_8 = arith.extui %sign3A_7 : i1 to i32
    %sign3A_9 = arith.constant 0 : i32
    %sign3A_10 = arith.cmpi slt, %jit3A, %sign3A_9 : i32
    %sign3A_11 = arith.extui %sign3A_10 : i1 to i32
    %sign3A_12 = arith.subi %sign3A_8, %sign3A_11 : i32
    %ne3A = arith.cmpi ne, %sign3A_5, %sign3A_12 : i32
    %rem3A = arith.remsi %arg0, %jit3A : i32
    %ne3A_13 = arith.constant 0 : i32
    %ne3A_14 = arith.cmpi ne, %rem3A, %ne3A_13 : i32
    %and3A = arith.andi %ne3A, %ne3A_14 : i1
    %sub3A = arith.constant 1 : i32
    %sub3A_15 = arith.subi %div3A, %sub3A : i32
    %select_n3A = arith.select %and3A, %sub3A_15, %div3A : i32
    %jit3A_16 = arith.constant 14 : i32
    %eq3A = arith.constant 0 : i32
    %eq3A_17 = arith.cmpi eq, %jit3A_16, %eq3A : i32
    %jit3A_18 = arith.constant 1 : i32
    %select_n3A_19 = arith.select %eq3A_17, %jit3A_18, %jit3A_16 : i32
    %rem3A_20 = arith.remsi %arg0, %select_n3A_19 : i32
    %ne3A_21 = arith.constant 0 : i32
    %ne3A_22 = arith.cmpi ne, %rem3A_20, %ne3A_21 : i32
    %lt3A = arith.constant 0 : i32
    %lt3A_23 = arith.cmpi slt, %rem3A_20, %lt3A : i32
    %lt3A_24 = arith.constant 0 : i32
    %lt3A_25 = arith.cmpi slt, %select_n3A_19, %lt3A_24 : i32
    %ne3A_26 = arith.xori %lt3A_23, %lt3A_25 : i1
    %and3A_27 = arith.andi %ne3A_26, %ne3A_22 : i1
    %add3A = arith.addi %rem3A_20, %select_n3A_19 : i32
    %select_n3A_28 = arith.select %and3A_27, %add3A, %rem3A_20 : i32
    %c0_i32 = arith.constant 0 : i32
    %c0_i32_29 = arith.constant 0 : i32
    %c0_i32_30 = arith.constant 0 : i32
    return %select_n3A, %select_n3A_28, %c0_i32, %c0_i32_29 : i32, i32, i32, i32
  }
  func.func @transform_3(%arg0: i32) -> (i32, i32, i32, i32) {
    %jit3A = arith.constant 14 : i32
    %div3A = arith.divsi %arg0, %jit3A : i32
    %sign3A = arith.constant 0 : i32
    %sign3A_0 = arith.cmpi sgt, %arg0, %sign3A : i32
    %sign3A_1 = arith.extui %sign3A_0 : i1 to i32
    %sign3A_2 = arith.constant 0 : i32
    %sign3A_3 = arith.cmpi slt, %arg0, %sign3A_2 : i32
    %sign3A_4 = arith.extui %sign3A_3 : i1 to i32
    %sign3A_5 = arith.subi %sign3A_1, %sign3A_4 : i32
    %sign3A_6 = arith.constant 0 : i32
    %sign3A_7 = arith.cmpi sgt, %jit3A, %sign3A_6 : i32
    %sign3A_8 = arith.extui %sign3A_7 : i1 to i32
    %sign3A_9 = arith.constant 0 : i32
    %sign3A_10 = arith.cmpi slt, %jit3A, %sign3A_9 : i32
    %sign3A_11 = arith.extui %sign3A_10 : i1 to i32
    %sign3A_12 = arith.subi %sign3A_8, %sign3A_11 : i32
    %ne3A = arith.cmpi ne, %sign3A_5, %sign3A_12 : i32
    %rem3A = arith.remsi %arg0, %jit3A : i32
    %ne3A_13 = arith.constant 0 : i32
    %ne3A_14 = arith.cmpi ne, %rem3A, %ne3A_13 : i32
    %and3A = arith.andi %ne3A, %ne3A_14 : i1
    %sub3A = arith.constant 1 : i32
    %sub3A_15 = arith.subi %div3A, %sub3A : i32
    %select_n3A = arith.select %and3A, %sub3A_15, %div3A : i32
    %jit3A_16 = arith.constant 14 : i32
    %eq3A = arith.constant 0 : i32
    %eq3A_17 = arith.cmpi eq, %jit3A_16, %eq3A : i32
    %jit3A_18 = arith.constant 1 : i32
    %select_n3A_19 = arith.select %eq3A_17, %jit3A_18, %jit3A_16 : i32
    %rem3A_20 = arith.remsi %arg0, %select_n3A_19 : i32
    %ne3A_21 = arith.constant 0 : i32
    %ne3A_22 = arith.cmpi ne, %rem3A_20, %ne3A_21 : i32
    %lt3A = arith.constant 0 : i32
    %lt3A_23 = arith.cmpi slt, %rem3A_20, %lt3A : i32
    %lt3A_24 = arith.constant 0 : i32
    %lt3A_25 = arith.cmpi slt, %select_n3A_19, %lt3A_24 : i32
    %ne3A_26 = arith.xori %lt3A_23, %lt3A_25 : i1
    %and3A_27 = arith.andi %ne3A_26, %ne3A_22 : i1
    %add3A = arith.addi %rem3A_20, %select_n3A_19 : i32
    %select_n3A_28 = arith.select %and3A_27, %add3A, %rem3A_20 : i32
    %c0_i32 = arith.constant 0 : i32
    %c0_i32_29 = arith.constant 0 : i32
    %c0_i32_30 = arith.constant 0 : i32
    return %select_n3A, %select_n3A_28, %c0_i32, %c0_i32_29 : i32, i32, i32, i32
  }
  func.func @transform_4(%arg0: i32) -> (i32, i32) {
    %c0_i32 = arith.constant 0 : i32
    %c0_i32_0 = arith.constant 0 : i32
    %c0_i32_1 = arith.constant 0 : i32
    return %c0_i32, %c0_i32_0 : i32, i32
  }
  func.func @transform_5(%arg0: i32) -> (i32, i32) {
    %c0_i32 = arith.constant 0 : i32
    %c0_i32_0 = arith.constant 0 : i32
    %c0_i32_1 = arith.constant 0 : i32
    return %c0_i32, %c0_i32_0 : i32, i32
  }
  func.func @transform_6(%arg0: i32) -> (i32, i32) {
    %c0_i32 = arith.constant 0 : i32
    %c0_i32_0 = arith.constant 0 : i32
    %c0_i32_1 = arith.constant 0 : i32
    return %c0_i32, %c0_i32_0 : i32, i32
  }
  func.func @transform_7(%arg0: i32) -> (i32, i32) {
    %c0_i32 = arith.constant 0 : i32
    %c0_i32_0 = arith.constant 0 : i32
    %c0_i32_1 = arith.constant 0 : i32
    return %c0_i32, %c0_i32_0 : i32, i32
  }
  func.func @transform_8(%arg0: i32) -> (i32, i32, i32, i32) {
    %jit3A = arith.constant 14 : i32
    %div3A = arith.divsi %arg0, %jit3A : i32
    %sign3A = arith.constant 0 : i32
    %sign3A_0 = arith.cmpi sgt, %arg0, %sign3A : i32
    %sign3A_1 = arith.extui %sign3A_0 : i1 to i32
    %sign3A_2 = arith.constant 0 : i32
    %sign3A_3 = arith.cmpi slt, %arg0, %sign3A_2 : i32
    %sign3A_4 = arith.extui %sign3A_3 : i1 to i32
    %sign3A_5 = arith.subi %sign3A_1, %sign3A_4 : i32
    %sign3A_6 = arith.constant 0 : i32
    %sign3A_7 = arith.cmpi sgt, %jit3A, %sign3A_6 : i32
    %sign3A_8 = arith.extui %sign3A_7 : i1 to i32
    %sign3A_9 = arith.constant 0 : i32
    %sign3A_10 = arith.cmpi slt, %jit3A, %sign3A_9 : i32
    %sign3A_11 = arith.extui %sign3A_10 : i1 to i32
    %sign3A_12 = arith.subi %sign3A_8, %sign3A_11 : i32
    %ne3A = arith.cmpi ne, %sign3A_5, %sign3A_12 : i32
    %rem3A = arith.remsi %arg0, %jit3A : i32
    %ne3A_13 = arith.constant 0 : i32
    %ne3A_14 = arith.cmpi ne, %rem3A, %ne3A_13 : i32
    %and3A = arith.andi %ne3A, %ne3A_14 : i1
    %sub3A = arith.constant 1 : i32
    %sub3A_15 = arith.subi %div3A, %sub3A : i32
    %select_n3A = arith.select %and3A, %sub3A_15, %div3A : i32
    %jit3A_16 = arith.constant 14 : i32
    %eq3A = arith.constant 0 : i32
    %eq3A_17 = arith.cmpi eq, %jit3A_16, %eq3A : i32
    %jit3A_18 = arith.constant 1 : i32
    %select_n3A_19 = arith.select %eq3A_17, %jit3A_18, %jit3A_16 : i32
    %rem3A_20 = arith.remsi %arg0, %select_n3A_19 : i32
    %ne3A_21 = arith.constant 0 : i32
    %ne3A_22 = arith.cmpi ne, %rem3A_20, %ne3A_21 : i32
    %lt3A = arith.constant 0 : i32
    %lt3A_23 = arith.cmpi slt, %rem3A_20, %lt3A : i32
    %lt3A_24 = arith.constant 0 : i32
    %lt3A_25 = arith.cmpi slt, %select_n3A_19, %lt3A_24 : i32
    %ne3A_26 = arith.xori %lt3A_23, %lt3A_25 : i1
    %and3A_27 = arith.andi %ne3A_26, %ne3A_22 : i1
    %add3A = arith.addi %rem3A_20, %select_n3A_19 : i32
    %select_n3A_28 = arith.select %and3A_27, %add3A, %rem3A_20 : i32
    %c0_i32 = arith.constant 0 : i32
    %c0_i32_29 = arith.constant 0 : i32
    %c0_i32_30 = arith.constant 0 : i32
    return %select_n3A, %select_n3A_28, %c0_i32, %c0_i32_29 : i32, i32, i32, i32
  }
  func.func @transform_9(%arg0: i32) -> (i32, i32, i32, i32) {
    %jit3A = arith.constant 14 : i32
    %div3A = arith.divsi %arg0, %jit3A : i32
    %sign3A = arith.constant 0 : i32
    %sign3A_0 = arith.cmpi sgt, %arg0, %sign3A : i32
    %sign3A_1 = arith.extui %sign3A_0 : i1 to i32
    %sign3A_2 = arith.constant 0 : i32
    %sign3A_3 = arith.cmpi slt, %arg0, %sign3A_2 : i32
    %sign3A_4 = arith.extui %sign3A_3 : i1 to i32
    %sign3A_5 = arith.subi %sign3A_1, %sign3A_4 : i32
    %sign3A_6 = arith.constant 0 : i32
    %sign3A_7 = arith.cmpi sgt, %jit3A, %sign3A_6 : i32
    %sign3A_8 = arith.extui %sign3A_7 : i1 to i32
    %sign3A_9 = arith.constant 0 : i32
    %sign3A_10 = arith.cmpi slt, %jit3A, %sign3A_9 : i32
    %sign3A_11 = arith.extui %sign3A_10 : i1 to i32
    %sign3A_12 = arith.subi %sign3A_8, %sign3A_11 : i32
    %ne3A = arith.cmpi ne, %sign3A_5, %sign3A_12 : i32
    %rem3A = arith.remsi %arg0, %jit3A : i32
    %ne3A_13 = arith.constant 0 : i32
    %ne3A_14 = arith.cmpi ne, %rem3A, %ne3A_13 : i32
    %and3A = arith.andi %ne3A, %ne3A_14 : i1
    %sub3A = arith.constant 1 : i32
    %sub3A_15 = arith.subi %div3A, %sub3A : i32
    %select_n3A = arith.select %and3A, %sub3A_15, %div3A : i32
    %jit3A_16 = arith.constant 14 : i32
    %eq3A = arith.constant 0 : i32
    %eq3A_17 = arith.cmpi eq, %jit3A_16, %eq3A : i32
    %jit3A_18 = arith.constant 1 : i32
    %select_n3A_19 = arith.select %eq3A_17, %jit3A_18, %jit3A_16 : i32
    %rem3A_20 = arith.remsi %arg0, %select_n3A_19 : i32
    %ne3A_21 = arith.constant 0 : i32
    %ne3A_22 = arith.cmpi ne, %rem3A_20, %ne3A_21 : i32
    %lt3A = arith.constant 0 : i32
    %lt3A_23 = arith.cmpi slt, %rem3A_20, %lt3A : i32
    %lt3A_24 = arith.constant 0 : i32
    %lt3A_25 = arith.cmpi slt, %select_n3A_19, %lt3A_24 : i32
    %ne3A_26 = arith.xori %lt3A_23, %lt3A_25 : i1
    %and3A_27 = arith.andi %ne3A_26, %ne3A_22 : i1
    %add3A = arith.addi %rem3A_20, %select_n3A_19 : i32
    %select_n3A_28 = arith.select %and3A_27, %add3A, %rem3A_20 : i32
    %c0_i32 = arith.constant 0 : i32
    %c0_i32_29 = arith.constant 0 : i32
    %c0_i32_30 = arith.constant 0 : i32
    return %select_n3A, %select_n3A_28, %c0_i32, %c0_i32_29 : i32, i32, i32, i32
  }
  func.func @transform_10(%arg0: i32) -> (i32, i32, i32, i32) {
    %jit3A = arith.constant 14 : i32
    %div3A = arith.divsi %arg0, %jit3A : i32
    %sign3A = arith.constant 0 : i32
    %sign3A_0 = arith.cmpi sgt, %arg0, %sign3A : i32
    %sign3A_1 = arith.extui %sign3A_0 : i1 to i32
    %sign3A_2 = arith.constant 0 : i32
    %sign3A_3 = arith.cmpi slt, %arg0, %sign3A_2 : i32
    %sign3A_4 = arith.extui %sign3A_3 : i1 to i32
    %sign3A_5 = arith.subi %sign3A_1, %sign3A_4 : i32
    %sign3A_6 = arith.constant 0 : i32
    %sign3A_7 = arith.cmpi sgt, %jit3A, %sign3A_6 : i32
    %sign3A_8 = arith.extui %sign3A_7 : i1 to i32
    %sign3A_9 = arith.constant 0 : i32
    %sign3A_10 = arith.cmpi slt, %jit3A, %sign3A_9 : i32
    %sign3A_11 = arith.extui %sign3A_10 : i1 to i32
    %sign3A_12 = arith.subi %sign3A_8, %sign3A_11 : i32
    %ne3A = arith.cmpi ne, %sign3A_5, %sign3A_12 : i32
    %rem3A = arith.remsi %arg0, %jit3A : i32
    %ne3A_13 = arith.constant 0 : i32
    %ne3A_14 = arith.cmpi ne, %rem3A, %ne3A_13 : i32
    %and3A = arith.andi %ne3A, %ne3A_14 : i1
    %sub3A = arith.constant 1 : i32
    %sub3A_15 = arith.subi %div3A, %sub3A : i32
    %select_n3A = arith.select %and3A, %sub3A_15, %div3A : i32
    %jit3A_16 = arith.constant 14 : i32
    %eq3A = arith.constant 0 : i32
    %eq3A_17 = arith.cmpi eq, %jit3A_16, %eq3A : i32
    %jit3A_18 = arith.constant 1 : i32
    %select_n3A_19 = arith.select %eq3A_17, %jit3A_18, %jit3A_16 : i32
    %rem3A_20 = arith.remsi %arg0, %select_n3A_19 : i32
    %ne3A_21 = arith.constant 0 : i32
    %ne3A_22 = arith.cmpi ne, %rem3A_20, %ne3A_21 : i32
    %lt3A = arith.constant 0 : i32
    %lt3A_23 = arith.cmpi slt, %rem3A_20, %lt3A : i32
    %lt3A_24 = arith.constant 0 : i32
    %lt3A_25 = arith.cmpi slt, %select_n3A_19, %lt3A_24 : i32
    %ne3A_26 = arith.xori %lt3A_23, %lt3A_25 : i1
    %and3A_27 = arith.andi %ne3A_26, %ne3A_22 : i1
    %add3A = arith.addi %rem3A_20, %select_n3A_19 : i32
    %select_n3A_28 = arith.select %and3A_27, %add3A, %rem3A_20 : i32
    %c0_i32 = arith.constant 0 : i32
    %c0_i32_29 = arith.constant 0 : i32
    %c0_i32_30 = arith.constant 0 : i32
    return %select_n3A, %select_n3A_28, %c0_i32, %c0_i32_29 : i32, i32, i32, i32
  }
  func.func @transform_11(%arg0: i32) -> (i32, i32, i32, i32) {
    %jit3A = arith.constant 14 : i32
    %div3A = arith.divsi %arg0, %jit3A : i32
    %sign3A = arith.constant 0 : i32
    %sign3A_0 = arith.cmpi sgt, %arg0, %sign3A : i32
    %sign3A_1 = arith.extui %sign3A_0 : i1 to i32
    %sign3A_2 = arith.constant 0 : i32
    %sign3A_3 = arith.cmpi slt, %arg0, %sign3A_2 : i32
    %sign3A_4 = arith.extui %sign3A_3 : i1 to i32
    %sign3A_5 = arith.subi %sign3A_1, %sign3A_4 : i32
    %sign3A_6 = arith.constant 0 : i32
    %sign3A_7 = arith.cmpi sgt, %jit3A, %sign3A_6 : i32
    %sign3A_8 = arith.extui %sign3A_7 : i1 to i32
    %sign3A_9 = arith.constant 0 : i32
    %sign3A_10 = arith.cmpi slt, %jit3A, %sign3A_9 : i32
    %sign3A_11 = arith.extui %sign3A_10 : i1 to i32
    %sign3A_12 = arith.subi %sign3A_8, %sign3A_11 : i32
    %ne3A = arith.cmpi ne, %sign3A_5, %sign3A_12 : i32
    %rem3A = arith.remsi %arg0, %jit3A : i32
    %ne3A_13 = arith.constant 0 : i32
    %ne3A_14 = arith.cmpi ne, %rem3A, %ne3A_13 : i32
    %and3A = arith.andi %ne3A, %ne3A_14 : i1
    %sub3A = arith.constant 1 : i32
    %sub3A_15 = arith.subi %div3A, %sub3A : i32
    %select_n3A = arith.select %and3A, %sub3A_15, %div3A : i32
    %jit3A_16 = arith.constant 14 : i32
    %eq3A = arith.constant 0 : i32
    %eq3A_17 = arith.cmpi eq, %jit3A_16, %eq3A : i32
    %jit3A_18 = arith.constant 1 : i32
    %select_n3A_19 = arith.select %eq3A_17, %jit3A_18, %jit3A_16 : i32
    %rem3A_20 = arith.remsi %arg0, %select_n3A_19 : i32
    %ne3A_21 = arith.constant 0 : i32
    %ne3A_22 = arith.cmpi ne, %rem3A_20, %ne3A_21 : i32
    %lt3A = arith.constant 0 : i32
    %lt3A_23 = arith.cmpi slt, %rem3A_20, %lt3A : i32
    %lt3A_24 = arith.constant 0 : i32
    %lt3A_25 = arith.cmpi slt, %select_n3A_19, %lt3A_24 : i32
    %ne3A_26 = arith.xori %lt3A_23, %lt3A_25 : i1
    %and3A_27 = arith.andi %ne3A_26, %ne3A_22 : i1
    %add3A = arith.addi %rem3A_20, %select_n3A_19 : i32
    %select_n3A_28 = arith.select %and3A_27, %add3A, %rem3A_20 : i32
    %c0_i32 = arith.constant 0 : i32
    %c0_i32_29 = arith.constant 0 : i32
    %c0_i32_30 = arith.constant 0 : i32
    return %select_n3A, %select_n3A_28, %c0_i32, %c0_i32_29 : i32, i32, i32, i32
  }
}

</mosaic_0001>

<sc_bundles>
// kernel: kernel.7.cloned.1.call-start
scs
__scs_entry_jumppad:
0x0: {  	(pc) =	sbr.rel $0x88, $3  }
0x1: {  	(tag) =	ssettag $0x0;
	lr =	simm.s32 $0x1  }
0x2: {  	[smem:$0x3F99] =	sst lr;
	_ =	strace $0xD0000000  }
0x3: {  	_ = 	snop  }
0x4: {  	_ = 	snop  }
0x5: {  	_ = 	snop  }
0x6: {  	_ = 	snop  }
0x7: {  	_ = 	snop  }
__scs_overlays_trampoline_lowered:
0x8: {  	[smem:$0x3FA8] =	sst s0  }
0x9: {  	[smem:$0x3FA9] =	sst s1  }
0xa: {  	[smem:$0x3FAA] =	sst s2  }
0xb: {  	[smem:$0x3FAB] =	sst s3  }
0xc: {  	[smem:$0x3FAC] =	sst s4  }
0xd: {  	[smem:$0x3FAD] =	sst s5  }
0xe: {  	[smem:$0x3FAE] =	sst s6  }
0xf: {  	[smem:$0x3FAF] =	sst s7  }
0x10: {  	[smem:$0x3FB0] =	sst s8  }
0x11: {  	[smem:$0x3FB1] =	sst s9;
	s0 =	simm.s32 @!p0 $0x0  }
0x12: {  	s1 =	sld [smem:$0x3F97];
	s0 =	simm.s32 @p0 $0x1  }
0x13: {  	[smem:$0x3FB2] =	sst s0;
	s0 =	simm.s32 @!p1 $0x0  }
0x14: {  	s2 =	sld [smem:$0x3F96];
	s0 =	simm.s32 @p1 $0x1  }
0x15: {  	[smem:$0x3FB3] =	sst s0;
	s0 =	simm.s32 @!p2 $0x0  }
0x16: {  	s3 =	sld [smem:$0x3FDB];
	s0 =	simm.s32 @p2 $0x1  }
0x17: {  	s4 =	simm.s32 $0x1BF5;
	[smem:$0x3FB5] =	sst s0  }
0x18: {  	s0 =	sld [smem:$0x3F98];
	_ =	swait.ge [sflag:s4], $0x0  }
0x19: {  	s7 =	sld [smem:$0x3F99]  }
0x1a: {  	s8 =	sadd.s32 $0xFFFFE003, lr  }
0x1b: {  	s9 =	sadd.s32 $0xFFFFFEF7, lr;
	s5 =	simm.s32 $0xFFFFFFFF;
	p2 =	slt.u32 s8, $0xFFFFF086  }
0x1c: {  	p1 =	slt.u32 s9, $0xF7A;
	s5 =	simm.s32 @!p2 $0x0  }
0x1d: {  	s5 =	simm.s32 @p1 $0x1;
	p0 =	seq.s32 s7, s2  }
0x1e: {  	s7 =	smul.u32 @!p0 $0xF7A, s2;
	p2 =	seq.s32 @!p0 s5, $0x0  }
0x1f: {  	s9 =	smul.u32 $0xF7A, s1;
	s8 =	simm.s32 @!p0 $0x1BF5;
	p2 =	por !p2, p0  }
0x20: {  	[sflag:s8] =	ssyncset.s32 @!p0 $0xFFFFF086;
	s6 =	sadd.s32 @!p0 s3, s7;
	s7 =	simm.s32 @!p0 $0x108  }
0x21: {  	s3 =	sadd.s32 s3, s9;
	s6 =	sadd.s32 @!p0 $0x88, s6;
	s7 =	simm.s32 @p2 $0x1082  }
0x22: {  	[simem:s7], [sflag:s8] =	dma.local @!p0 [hbm:s6], $0xF7A  }
0x23: {  	s9 =	sor.u32 $0xD0000000, s2;
	s6 =	simm.s32 $0x108;
	_ =	swait.ge @!p0 [sflag:s8], $0x0  }
0x24: {  	s3 =	sadd.s32 $0x88, s3;
	s6 =	simm.s32 @!p1 $0x1082;
	[sflag:s4] =	ssyncset.s32 $0xFFFFF086  }
0x25: {  	[simem:s6], [sflag:s4] =	dma.local [hbm:s3], $0xF7A  }
0x26: {  	[smem:$0x3F99] =	sst s1;
	(tag) =	ssettag s2;
	_ =	strace s9  }
0x27: {  	s1 =	sld [smem:$0x3FA9]  }
0x28: {  	s2 =	sld [smem:$0x3FAA]  }
0x29: {  	s4 =	sld [smem:$0x3FAC]  }
0x2a: {  	p0 =	seq.s32 s5, $0x0;
	s5 =	sld [smem:$0x3FAD]  }
0x2b: {  	s6 =	sld [smem:$0x3FAE]  }
0x2c: {  	s7 =	sld [smem:$0x3FAF]  }
0x2d: {  	s3 =	simm.s32 $0x108;
	s8 =	sld [smem:$0x3FB0]  }
0x2e: {  	s3 =	simm.s32 @!p0 $0x1082;
	s9 =	sld [smem:$0x3FB1]  }
0x2f: {  	lr =	sadd.s32 s0, s3;
	s0 =	sld [smem:$0x3FA8]  }
0x30: {  	s3 =	sld [smem:$0x3FAB]  }
0x31: {  	[smem:$0x3FB4] =	sst s10  }
0x32: {  	s10 =	sld [smem:$0x3FB2];
	_ =	sdelay $0x3  }
0x33: {  	p0 =	seq.s32 s10, $0x1;
	s10 =	sld [smem:$0x3FB4];
	_ =	sdelay $0x3  }
0x34: {  	[smem:$0x3FB4] =	sst s10  }
0x35: {  	s10 =	sld [smem:$0x3FB3];
	_ =	sdelay $0x3  }
0x36: {  	p1 =	seq.s32 s10, $0x1;
	s10 =	sld [smem:$0x3FB4];
	_ =	sdelay $0x3  }
0x37: {  	[smem:$0x3FB4] =	sst s10  }
0x38: {  	s10 =	sld [smem:$0x3FB5]  }
0x39: {  	_ = 	snop;
	(pc) =	sbr.ind lr, $3  }
0x3a: {  	_ = 	snop  }
0x3b: {  	_ = 	snop  }
0x3c: {  	p2 =	seq.s32 s10, $0x1;
	s10 =	sld [smem:$0x3FB4]  }
0x3d: {  	_ =	shalt  }
0x3e: {  	_ =	shalt  }
0x3f: {  	_ =	shalt  }
0x40: {  	_ =	shalt  }
0x41: {  	_ =	shalt  }
0x42: {  	_ =	shalt  }
0x43: {  	_ =	shalt  }
0x44: {  	_ =	shalt  }
0x45: {  	_ =	shalt  }
0x46: {  	_ =	shalt  }
0x47: {  	_ =	shalt  }
0x48: {  	_ =	shalt  }
0x49: {  	_ =	shalt  }
0x4a: {  	_ =	shalt  }
0x4b: {  	_ =	shalt  }
0x4c: {  	_ =	shalt  }
0x4d: {  	_ =	shalt  }
0x4e: {  	_ =	shalt  }
0x4f: {  	_ =	shalt  }
0x50: {  	_ =	shalt  }
0x51: {  	_ =	shalt  }
0x52: {  	_ =	shalt  }
0x53: {  	_ =	shalt  }
0x54: {  	_ =	shalt  }
0x55: {  	_ =	shalt  }
0x56: {  	_ =	shalt  }
0x57: {  	_ =	shalt  }
0x58: {  	_ =	shalt  }
0x59: {  	_ =	shalt  }
0x5a: {  	_ =	shalt  }
0x5b: {  	_ =	shalt  }
0x5c: {  	_ =	shalt  }
0x5d: {  	_ =	shalt  }
0x5e: {  	_ =	shalt  }
0x5f: {  	_ =	shalt  }
0x60: {  	_ =	shalt  }
0x61: {  	_ =	shalt  }
0x62: {  	_ =	shalt  }
0x63: {  	_ =	shalt  }
0x64: {  	_ =	shalt  }
0x65: {  	_ =	shalt  }
0x66: {  	_ =	shalt  }
0x67: {  	_ =	shalt  }
0x68: {  	_ =	shalt  }
0x69: {  	_ =	shalt  }
0x6a: {  	_ =	shalt  }
0x6b: {  	_ =	shalt  }
0x6c: {  	_ =	shalt  }
0x6d: {  	_ =	shalt  }
0x6e: {  	_ =	shalt  }
0x6f: {  	_ =	shalt  }
0x70: {  	_ =	shalt  }
0x71: {  	_ =	shalt  }
0x72: {  	_ =	shalt  }
0x73: {  	_ =	shalt  }
0x74: {  	_ =	shalt  }
0x75: {  	_ =	shalt  }
0x76: {  	_ =	shalt  }
0x77: {  	_ =	shalt  }
0x78: {  	_ =	shalt  }
0x79: {  	_ =	shalt  }
0x7a: {  	_ =	shalt  }
0x7b: {  	_ =	shalt  }
0x7c: {  	_ =	shalt  }
0x7d: {  	_ =	shalt  }
0x7e: {  	_ =	shalt  }
0x7f: {  	_ =	shalt  }
0x80: {  	_ =	shalt  }
0x81: {  	_ =	shalt  }
0x82: {  	_ =	shalt  }
0x83: {  	_ =	shalt  }
0x84: {  	_ =	shalt  }
0x85: {  	_ =	shalt  }
0x86: {  	_ =	shalt  }
0x87: {  	_ =	shalt  }
.Lfunc_end0:
.L_simem_size_0:
called_computation_lowered:
.L_overlay_start_0:
0x88: {  	s2 =	sld [smem:$0x3FD9]  }
0x89: {  	s3 =	sld [smem:$0x3FFE];
	_ =	sdelay $0x1  }
0x8a: {  	s1 =	srdreg.scid  }
0x8b: {  	s0 =	sand.u32 $0x1, s1  }
0x8c: {  	s14 =	sshll.u32 s0, $0xA;
	s2 =	sadd.s32 s3, s2  }
0x8d: {  	s2 =	sadd.s32 s2, s14  }
0x8e: {  	[smem:$0x3FC0] =	sst s2  }
0x8f: {  	_ = 	snop  }
0x90: {  	s2 =	sld [smem:$0x3FD0];
	_ =	sdelay $0x2  }
0x91: {  	s15 =	simm.s32 $0xA;
	s4 =	simm.s32 $0x10  }
0x92: {  	[smem:s4], [sflag:s15] =	dma.local [hbm:s2], $0x1  }
0x93: {  	_ =	swait.eq [sflag:s15], $0x1  }
0x94: {  	[sflag:s15] =	ssyncset.done $0x0  }
0x95: {  	[sflag:s15] =	ssyncadd.s32 $0xFFFFFFFF  }
0x96: {  	s16 =	sld [smem:$0x10];
	(tm) =	ssettm $0x1  }
0x97: {  	s17 =	sld [smem:$0x3FFB];
	_ =	sdelay $0x3  }
0x98: {  	_ =	strace s17  }
0x99: {  	s3 =	sld [smem:$0x3FFC];
	_ =	sdelay $0x3  }
0x9a: {  	_ =	strace s3  }
0x9b: {  	s3 =	sld [smem:$0x3FFD];
	_ =	sdelay $0x3  }
0x9c: {  	_ =	strace s3  }
0x9d: {  	_ =	strace $0x8FFFFFFF  }
0x9e: {  	s18 =	sld [smem:$0x3FDB];
	_ =	sdelay $0x1  }
0x9f: {  	s19 =	simm.s32 $_scs_section_size  }
0xa0: {  	s5 =	simm.s32 $_size__tile_overlayer_lowered;
	s6 =	simm.s32 $_tile_overlayer_lowered  }
0xa1: {  	s22 =	simm.s32 $0x1BFF;
	s21 =	sshll.u32 s6, $0x1;
	s3 =	sadd.s32 s19, s18  }
0xa2: {  	s7 =	simm.s32 $0x0;
	s20 =	sshll.u32 s5, $0x1;
	s5 =	sadd.s32 s21, s3  }
0xa3: {  	[timem:s7], [sflag:s22] =	dma.local [hbm:s5], s20  }
0xa4: {  	_ =	swait.ge [sflag:s22], s20  }
0xa5: {  	s4 =	ssub.s32 $0x0, s20;
	[sflag:s22] =	ssyncset.done $0x0  }
0xa6: {  	[sflag:s22] =	ssyncadd.s32 s4;
	_ =	sdelay $0x1  }
0xa7: {  	s23 =	simm.s32 $0x1B8B  }
0xa8: {  	_ =	swait.ge [sflag:s23], $0x1  }
0xa9: {  	[sflag:s23] =	ssyncset.done $0x0  }
0xaa: {  	s25 =	simm.s32 $0x1B8E;
	s24 =	sld [smem:$0x3FFE];
	[sflag:s23] =	ssyncadd.s32 $0xFFFFFFFF  }
0xab: {  	s26 =	simm.s32 $execute0_lowered;
	[smem:$0x3FD2] =	sst s25  }
0xac: {  	s5 =	sshll.u32 s26, $0x1;
	_ =	strace $0x80000046;
	[dreg:$0x1] =	wrdreg $0xFFFFFFFF  }
0xad: {  	s28 =	simm.s32 $_size_execute0_lowered;
	s3 =	sadd.s32 s3, s5;
	[dreg:$0x0] =	wrdreg $0x0  }
0xae: {  	s5 =	sshll.u32 s28, $0x1;
	[dreg:$0x2] =	wrdreg s3  }
0xaf: {  	[dreg:$0x3] =	wrdreg s5  }
0xb0: {  	[dreg:$0x4] =	wrdreg $0xC0  }
0xb1: {  	_ =	task [dreg:s7], $0x5FFFF  }
0xb2: {  	[dreg:$0x1] =	wrdreg $0xFFFFFFFF  }
0xb3: {  	[dreg:$0x0] =	wrdreg $0x60  }
0xb4: {  	[dreg:$0x2] =	wrdreg s16  }
0xb5: {  	[dreg:$0x3] =	wrdreg s24  }
0xb6: {  	[dreg:$0x4] =	wrdreg $0x9  }
0xb7: {  	_ =	task.clear_ibuf [dreg:s7], $0x5FFFF;
	_ =	strace $0x90000046  }
0xb8: {  	s29 =	simm.s32 $0x9;
	_ =	strace $0x80000048  }
0xb9: {  	_ =	swait.ge [sflag:s29], $0x1  }
0xba: {  	[sflag:s29] =	ssyncadd.s32 $0xFFFFFFFF  }
0xbb: {  	_ =	strace $0x90000048  }
0xbc: {  	_ =	sfence  }
0xbd: {  	s30 =	sld [smem:$0x0];
	_ =	sdelay $0x2  }
0xbe: {  	s31 =	sshll.u32 s1, $0xD;
	s1 =	sshrl.u32 s1, $0x2  }
0xbf: {  	s3 =	sand.u32 $0x4000, s31;
	s1 =	sadd.s32 s1, s30  }
0xc0: {  	s0 =	sor.u32 s3, s0;
	s1 =	sshll.u32 s1, $0x11  }
0xc1: {  	s0 =	sor.u32 s1, s0  }
0xc2: {  	s0 =	sadd.s32 $0x8F2B, s0  }
0xc3: {  	[sflag:s0] =	ssyncadd.remote.s32 $0x1  }
0xc4: {  	_ =	sfence.sel $0xFFFF  }
0xc5: {  	[dreg:$0x0] =	wrdreg $0xFFFFFFFF;
	(pc) =	sbr.abs _section_cstart, $3  }
0xc6: {  	[dreg:$0x1] =	wrdreg $0xFFFFFFFF  }
0xc7: {  	_ =	task.clear_ibuf [dreg:s7], $0x2FFFF;
	_ =	strace $0x9FFFFFFF  }
0xc8: {  	(tm) =	ssettm $0x7FFFFFFF  }
0xc9: {  	_ =	shalt  }
tec
execute0_lowered:
.L_overlay_start_1:
0x0: {  	(tag) =	ssettag $0x1  }
0x1: {  	s1 =	srdreg.scid;
	s0 =	stileid.u32  }
0x2: {  	s29 =	sand.u32 $0x1, s1;
	s31 =	sshll.u32 s0, $0x1  }
0x3: {  	s30 =	sor.u32 s29, s31  }
0x4: {  	s2 =	rddreg [dreg:$0x0];
	s4 =	smul.u32 $0xC4, s30  }
0x5: {  	s20 =	rddreg [dreg:$0x1];
	s3 =	simm.s32 $0x0  }
0x6: {  	[smem:$0x7FF] =	sst s3;
	s4 =	sadd.s32 s4, s20  }
0x7: {  	_ =	strace $0x80000047;
	s5 =	sadd.s32 $0x4A00, s4;
	s4 =	simm.s32 $0x2  }
0x8: {  	[tilespmem:s3], [sflag:$0x2] =	stream.linear.gather [hbm4b:s5+s3], $0x620, $0x38;
	[tilespmem:$0x18E80] =	vst v63  }
0x9: {  	_ =	swait.ge [sflag:s4], $0x620  }
0xa: {  	[sflag:s4] =	ssyncset.done $0x0  }
0xb: {  	s6 =	simm.s32 $0x70;
	s7 =	simm.s32 $0x680;
	[sflag:s4] =	ssyncadd.s32 $0xFFFFF9E0  }
0xc: {  	[tilespmem:s7], [sflag:$0x1] =	stream.indirect.gather [hbm4b:s2+s6], $0x80, s3, s6, $0xb8;
	[tilespmem:$0x18E80] =	vst v63  }
0xd: {  	s8 =	simm.s32 $0x3E80  }
0xe: {  	[tilespmem:s8], [sflag:$0x1] =	stream.indirect.gather [hbm4b:s2+s6], $0x80, s6, s6, $0xb8;
	[tilespmem:$0x18E80] =	vst v63  }
0xf: {  	s9 =	simm.s32 $0xE0;
	s10 =	simm.s32 $0x7680  }
0x10: {  	[tilespmem:s10], [sflag:$0x1] =	stream.indirect.gather [hbm4b:s2+s6], $0x80, s9, s6, $0xb8;
	[tilespmem:$0x18E80] =	vst v63  }
0x11: {  	s11 =	simm.s32 $0x150;
	s12 =	simm.s32 $0xAE80  }
0x12: {  	[tilespmem:s12], [sflag:$0x1] =	stream.indirect.gather [hbm4b:s2+s6], $0x80, s11, s6, $0xb8;
	[tilespmem:$0x18E80] =	vst v63  }
0x13: {  	s13 =	simm.s32 $0x1C0;
	s14 =	simm.s32 $0xE680  }
0x14: {  	[tilespmem:s14], [sflag:$0x1] =	stream.indirect.gather [hbm4b:s2+s6], $0x80, s13, s6, $0xb8;
	[tilespmem:$0x18E80] =	vst v63  }
0x15: {  	s15 =	simm.s32 $0x230;
	s16 =	simm.s32 $0x11E80  }
0x16: {  	[tilespmem:s16], [sflag:$0x1] =	stream.indirect.gather [hbm4b:s2+s6], $0x80, s15, s6, $0xb8;
	[tilespmem:$0x18E80] =	vst v63  }
0x17: {  	s17 =	simm.s32 $0x2A0;
	s18 =	simm.s32 $0x15680;
	s19 =	simm.s32 $0x1  }
0x18: {  	[tilespmem:s18], [sflag:$0x1] =	stream.indirect.gather [hbm4b:s2+s6], $0x80, s17, s6, $0xb8;
	[tilespmem:$0x18E80] =	vst v63  }
0x19: {  	_ =	swait.ge [sflag:s19], $0x3800  }
0x1a: {  	[sflag:s19] =	ssyncset.done $0x0  }
0x1b: {  	[sflag:s19] =	ssyncadd.s32 $0xFFFFC800  }
0x1c: {  	_ =	swait.ge [sflag:s19], $0x3800  }
0x1d: {  	[sflag:s19] =	ssyncset.done $0x0  }
0x1e: {  	[sflag:s19] =	ssyncadd.s32 $0xFFFFC800  }
0x1f: {  	_ =	swait.ge [sflag:s19], $0x3800  }
0x20: {  	[sflag:s19] =	ssyncset.done $0x0  }
0x21: {  	[sflag:s19] =	ssyncadd.s32 $0xFFFFC800  }
0x22: {  	_ =	swait.ge [sflag:s19], $0x3800  }
0x23: {  	[sflag:s19] =	ssyncset.done $0x0  }
0x24: {  	[sflag:s19] =	ssyncadd.s32 $0xFFFFC800  }
0x25: {  	_ =	swait.ge [sflag:s19], $0x3800  }
0x26: {  	[sflag:s19] =	ssyncset.done $0x0  }
0x27: {  	[sflag:s19] =	ssyncadd.s32 $0xFFFFC800  }
0x28: {  	_ =	swait.ge [sflag:s19], $0x3800  }
0x29: {  	[sflag:s19] =	ssyncset.done $0x0  }
0x2a: {  	[sflag:s19] =	ssyncadd.s32 $0xFFFFC800  }
0x2b: {  	s21 =	smul.u32 $0x6200, s30;
	_ =	swait.ge [sflag:s19], $0x3800  }
0x2c: {  	s31 =	sadd.s32 $0x6400, s20;
	[sflag:s19] =	ssyncset.done $0x0  }
0x2d: {  	s20 =	sadd.s32 s31, s21;
	[sflag:s19] =	ssyncadd.s32 $0xFFFFC800  }
0x2e: {  	[hbm4b:s20+s3] =	stream.linear.scatter [tilespmem:s7], [sflag:$0x2], $0x18800, $0x38;
	[tilespmem:$0x18E80] =	vst v63  }
0x2f: {  	_ =	swait.ge [sflag:s4], $0x18800  }
0x30: {  	[sflag:s4] =	ssyncset.done $0x0  }
0x31: {  	s21 =	simm.s32 $0x310;
	[sflag:s4] =	ssyncadd.s32 $0xFFFE7800  }
0x32: {  	[tilespmem:s7], [sflag:$0x1] =	stream.indirect.gather [hbm4b:s2+s6], $0x80, s21, s6, $0xb8;
	[tilespmem:$0x18E80] =	vst v63  }
0x33: {  	s22 =	simm.s32 $0x380  }
0x34: {  	[tilespmem:s8], [sflag:$0x1] =	stream.indirect.gather [hbm4b:s2+s6], $0x80, s22, s6, $0xb8;
	[tilespmem:$0x18E80] =	vst v63  }
0x35: {  	s23 =	simm.s32 $0x3F0  }
0x36: {  	[tilespmem:s10], [sflag:$0x1] =	stream.indirect.gather [hbm4b:s2+s6], $0x80, s23, s6, $0xb8;
	[tilespmem:$0x18E80] =	vst v63  }
0x37: {  	s24 =	simm.s32 $0x460  }
0x38: {  	[tilespmem:s12], [sflag:$0x1] =	stream.indirect.gather [hbm4b:s2+s6], $0x80, s24, s6, $0xb8;
	[tilespmem:$0x18E80] =	vst v63  }
0x39: {  	s25 =	simm.s32 $0x4D0  }
0x3a: {  	[tilespmem:s14], [sflag:$0x1] =	stream.indirect.gather [hbm4b:s2+s6], $0x80, s25, s6, $0xb8;
	[tilespmem:$0x18E80] =	vst v63  }
0x3b: {  	s26 =	simm.s32 $0x540  }
0x3c: {  	[tilespmem:s16], [sflag:$0x1] =	stream.indirect.gather [hbm4b:s2+s6], $0x80, s26, s6, $0xb8;
	[tilespmem:$0x18E80] =	vst v63  }
0x3d: {  	s28 =	simm.s32 $0x5B0  }
0x3e: {  	[tilespmem:s18], [sflag:$0x1] =	stream.indirect.gather [hbm4b:s2+s6], $0x80, s28, s6, $0xb8;
	[tilespmem:$0x18E80] =	vst v63  }
0x3f: {  	_ =	swait.ge [sflag:s19], $0x3800  }
0x40: {  	[sflag:s19] =	ssyncset.done $0x0  }
0x41: {  	[sflag:s19] =	ssyncadd.s32 $0xFFFFC800  }
0x42: {  	_ =	swait.ge [sflag:s19], $0x3800  }
0x43: {  	[sflag:s19] =	ssyncset.done $0x0  }
0x44: {  	[sflag:s19] =	ssyncadd.s32 $0xFFFFC800  }
0x45: {  	_ =	swait.ge [sflag:s19], $0x3800  }
0x46: {  	[sflag:s19] =	ssyncset.done $0x0  }
0x47: {  	[sflag:s19] =	ssyncadd.s32 $0xFFFFC800  }
0x48: {  	_ =	swait.ge [sflag:s19], $0x3800  }
0x49: {  	[sflag:s19] =	ssyncset.done $0x0  }
0x4a: {  	[sflag:s19] =	ssyncadd.s32 $0xFFFFC800  }
0x4b: {  	_ =	swait.ge [sflag:s19], $0x3800  }
0x4c: {  	[sflag:s19] =	ssyncset.done $0x0  }
0x4d: {  	s29 =	ssub.s32 $0x2, s29;
	[sflag:s19] =	ssyncadd.s32 $0xFFFFC800  }
0x4e: {  	s1 =	sshrl.u32 s29, $0x1;
	_ =	swait.ge [sflag:s19], $0x3800  }
0x4f: {  	s30 =	smul.u32 $0x31000, s30;
	s1 =	ssub.s32 s29, s1;
	[sflag:s19] =	ssyncset.done $0x0  }
0x50: {  	s1 =	smax.u32 s1, $0x1;
	[sflag:s19] =	ssyncadd.s32 $0xFFFFC800  }
0x51: {  	s30 =	sshrl.u32 s30, $0x3;
	p0 =	sne.s32 s1, $0x1;
	_ =	swait.ge [sflag:s19], $0x3800  }
.Ltmp0:
0x52: {  	s29 =	sadd.s32 s31, s30;
	[sflag:s19] =	ssyncset.done $0x0;
	(pc) =	sbr.rel @!p0 .LBB2_2-.Ltmp0, $4  }
0x53: {  	s29 =	sadd.s32 $0x3100, s29;
	[sflag:s19] =	ssyncadd.s32 $0xFFFFC800  }
0x54: {  	[hbm4b:s29+s3] =	stream.linear.scatter [tilespmem:s7], [sflag:$0x2], $0x18800, $0x38;
	[tilespmem:$0x18E80] =	vst v63  }
0x55: {  	_ =	swait.ge [sflag:s4], $0x18800  }
0x56: {  	s30 =	sadd.s32 $0xFFFFFFFF, s1;
	[sflag:s4] =	ssyncset.done $0x0  }
.LBB2_1:
0x57: {  	p0 =	sne.s32 s30, $0x1;
	s30 =	sadd.s32 $0xFFFFFFFF, s30;
	[sflag:s4] =	ssyncadd.s32 $0xFFFE7800  }
0x58: {  	[tilespmem:s3], [sflag:$0x2] =	stream.linear.gather [hbm4b:s5+s3], $0x620, $0x38;
	[tilespmem:$0x18E80] =	vst v63  }
0x59: {  	_ =	swait.ge [sflag:s4], $0x620  }
0x5a: {  	[sflag:s4] =	ssyncset.done $0x0  }
0x5b: {  	[sflag:s4] =	ssyncadd.s32 $0xFFFFF9E0  }
0x5c: {  	[tilespmem:s7], [sflag:$0x1] =	stream.indirect.gather [hbm4b:s2+s6], $0x80, s3, s6, $0xb8;
	[tilespmem:$0x18E80] =	vst v63  }
0x5d: {  	_ = 	snop  }
0x5e: {  	[tilespmem:s8], [sflag:$0x1] =	stream.indirect.gather [hbm4b:s2+s6], $0x80, s6, s6, $0xb8;
	[tilespmem:$0x18E80] =	vst v63  }
0x5f: {  	_ = 	snop  }
0x60: {  	[tilespmem:s10], [sflag:$0x1] =	stream.indirect.gather [hbm4b:s2+s6], $0x80, s9, s6, $0xb8;
	[tilespmem:$0x18E80] =	vst v63  }
0x61: {  	_ = 	snop  }
0x62: {  	[tilespmem:s12], [sflag:$0x1] =	stream.indirect.gather [hbm4b:s2+s6], $0x80, s11, s6, $0xb8;
	[tilespmem:$0x18E80] =	vst v63  }
0x63: {  	_ = 	snop  }
0x64: {  	[tilespmem:s14], [sflag:$0x1] =	stream.indirect.gather [hbm4b:s2+s6], $0x80, s13, s6, $0xb8;
	[tilespmem:$0x18E80] =	vst v63  }
0x65: {  	_ = 	snop  }
0x66: {  	[tilespmem:s16], [sflag:$0x1] =	stream.indirect.gather [hbm4b:s2+s6], $0x80, s15, s6, $0xb8;
	[tilespmem:$0x18E80] =	vst v63  }
0x67: {  	_ = 	snop  }
0x68: {  	[tilespmem:s18], [sflag:$0x1] =	stream.indirect.gather [hbm4b:s2+s6], $0x80, s17, s6, $0xb8;
	[tilespmem:$0x18E80] =	vst v63  }
0x69: {  	_ =	swait.ge [sflag:s19], $0x3800  }
0x6a: {  	[sflag:s19] =	ssyncset.done $0x0  }
0x6b: {  	[sflag:s19] =	ssyncadd.s32 $0xFFFFC800  }
0x6c: {  	_ =	swait.ge [sflag:s19], $0x3800  }
0x6d: {  	[sflag:s19] =	ssyncset.done $0x0  }
0x6e: {  	[sflag:s19] =	ssyncadd.s32 $0xFFFFC800  }
0x6f: {  	_ =	swait.ge [sflag:s19], $0x3800  }
0x70: {  	[sflag:s19] =	ssyncset.done $0x0  }
0x71: {  	[sflag:s19] =	ssyncadd.s32 $0xFFFFC800  }
0x72: {  	_ =	swait.ge [sflag:s19], $0x3800  }
0x73: {  	[sflag:s19] =	ssyncset.done $0x0  }
0x74: {  	[sflag:s19] =	ssyncadd.s32 $0xFFFFC800  }
0x75: {  	_ =	swait.ge [sflag:s19], $0x3800  }
0x76: {  	[sflag:s19] =	ssyncset.done $0x0  }
0x77: {  	[sflag:s19] =	ssyncadd.s32 $0xFFFFC800  }
0x78: {  	_ =	swait.ge [sflag:s19], $0x3800  }
0x79: {  	[sflag:s19] =	ssyncset.done $0x0  }
0x7a: {  	[sflag:s19] =	ssyncadd.s32 $0xFFFFC800  }
0x7b: {  	_ =	swait.ge [sflag:s19], $0x3800  }
0x7c: {  	[sflag:s19] =	ssyncset.done $0x0  }
0x7d: {  	[sflag:s19] =	ssyncadd.s32 $0xFFFFC800  }
0x7e: {  	[hbm4b:s20+s3] =	stream.linear.scatter [tilespmem:s7], [sflag:$0x2], $0x18800, $0x38;
	[tilespmem:$0x18E80] =	vst v63  }
0x7f: {  	_ =	swait.ge [sflag:s4], $0x18800  }
0x80: {  	[sflag:s4] =	ssyncset.done $0x0  }
0x81: {  	[sflag:s4] =	ssyncadd.s32 $0xFFFE7800  }
0x82: {  	[tilespmem:s7], [sflag:$0x1] =	stream.indirect.gather [hbm4b:s2+s6], $0x80, s21, s6, $0xb8;
	[tilespmem:$0x18E80] =	vst v63  }
0x83: {  	_ = 	snop  }
0x84: {  	[tilespmem:s8], [sflag:$0x1] =	stream.indirect.gather [hbm4b:s2+s6], $0x80, s22, s6, $0xb8;
	[tilespmem:$0x18E80] =	vst v63  }
0x85: {  	_ = 	snop  }
0x86: {  	[tilespmem:s10], [sflag:$0x1] =	stream.indirect.gather [hbm4b:s2+s6], $0x80, s23, s6, $0xb8;
	[tilespmem:$0x18E80] =	vst v63  }
0x87: {  	_ = 	snop  }
0x88: {  	[tilespmem:s12], [sflag:$0x1] =	stream.indirect.gather [hbm4b:s2+s6], $0x80, s24, s6, $0xb8;
	[tilespmem:$0x18E80] =	vst v63  }
0x89: {  	_ = 	snop  }
0x8a: {  	[tilespmem:s14], [sflag:$0x1] =	stream.indirect.gather [hbm4b:s2+s6], $0x80, s25, s6, $0xb8;
	[tilespmem:$0x18E80] =	vst v63  }
0x8b: {  	_ = 	snop  }
0x8c: {  	[tilespmem:s16], [sflag:$0x1] =	stream.indirect.gather [hbm4b:s2+s6], $0x80, s26, s6, $0xb8;
	[tilespmem:$0x18E80] =	vst v63  }
0x8d: {  	_ = 	snop  }
0x8e: {  	[tilespmem:s18], [sflag:$0x1] =	stream.indirect.gather [hbm4b:s2+s6], $0x80, s28, s6, $0xb8;
	[tilespmem:$0x18E80] =	vst v63  }
0x8f: {  	_ =	swait.ge [sflag:s19], $0x3800  }
0x90: {  	[sflag:s19] =	ssyncset.done $0x0  }
0x91: {  	[sflag:s19] =	ssyncadd.s32 $0xFFFFC800  }
0x92: {  	_ =	swait.ge [sflag:s19], $0x3800  }
0x93: {  	[sflag:s19] =	ssyncset.done $0x0  }
0x94: {  	[sflag:s19] =	ssyncadd.s32 $0xFFFFC800  }
0x95: {  	_ =	swait.ge [sflag:s19], $0x3800  }
0x96: {  	[sflag:s19] =	ssyncset.done $0x0  }
0x97: {  	[sflag:s19] =	ssyncadd.s32 $0xFFFFC800  }
0x98: {  	_ =	swait.ge [sflag:s19], $0x3800  }
0x99: {  	[sflag:s19] =	ssyncset.done $0x0  }
0x9a: {  	[sflag:s19] =	ssyncadd.s32 $0xFFFFC800  }
0x9b: {  	_ =	swait.ge [sflag:s19], $0x3800  }
0x9c: {  	[sflag:s19] =	ssyncset.done $0x0  }
0x9d: {  	[sflag:s19] =	ssyncadd.s32 $0xFFFFC800  }
0x9e: {  	_ =	swait.ge [sflag:s19], $0x3800  }
0x9f: {  	[sflag:s19] =	ssyncset.done $0x0  }
0xa0: {  	[sflag:s19] =	ssyncadd.s32 $0xFFFFC800  }
0xa1: {  	_ =	swait.ge [sflag:s19], $0x3800  }
.Ltmp1:
0xa2: {  	[sflag:s19] =	ssyncset.done $0x0;
	(pc) =	sbr.rel @p0 .LBB2_1-.Ltmp1, $4  }
0xa3: {  	[sflag:s19] =	ssyncadd.s32 $0xFFFFC800  }
0xa4: {  	[hbm4b:s29+s3] =	stream.linear.scatter [tilespmem:s7], [sflag:$0x2], $0x18800, $0x38;
	[tilespmem:$0x18E80] =	vst v63  }
0xa5: {  	_ =	swait.ge [sflag:s4], $0x18800  }
0xa6: {  	[sflag:s4] =	ssyncset.done $0x0  }
.LBB2_2:
0xa7: {  	[sflag:s4] =	ssyncadd.s32 $0xFFFE7800  }
0xa8: {  	_ =	sfence.sel $0x180000  }
0xa9: {  	[bflag:$0x0] =	sbarrier.arrive $0xFFFF  }
0xaa: {  	_ =	strace $0x90000047  }
0xab: {  	[bflag:$0x2] =	sbarrier.arrive $0xFFFF  }
0xac: {  	p0 =	sne.s32 s0, $0x0;
	s0 =	rddreg [dreg:$0x2]  }
0xad: {  	s0 =	sadd.s32 @!p0 $0x100000, s0  }
0xae: {  	[sflag:s0] =	ssyncadd.tile.s32 @!p0 $0x1;
	_ =	shalt  }
.Lfunc_end2:
_tile_overlayer_lowered:
.L_overlay_start_2:
0xaf: {  	(tag) =	ssettag $0x2  }
0xb0: {  	s0 =	rddreg [dreg:$0x0];
	s2 =	stileid.u32  }
0xb1: {  	s1 =	rddreg [dreg:$0x1];
	p0 =	sne.s32 s2, $0x0  }
0xb2: {  	s3 =	rddreg [dreg:$0x2];
	[bflag:$0x3] =	sbarrier.arrive $0xFFFF;
	s2 =	simm.s32 @!p0 $0x1C02  }
0xb3: {  	[timem:s3], [sflag:s2] =	dma.local @!p0 [hbm:s0], s1  }
0xb4: {  	s0 =	simm.s32 @!p0 $0x2  }
0xb5: {  	_ =	swait.ge @!p0 [sflag:s0], s1  }
0xb6: {  	s1 =	ssub.s32 @!p0 $0x0, s1;
	[sflag:s0] =	ssyncset.done @!p0 $0x0  }
0xb7: {  	[sflag:s0] =	ssyncadd.s32 @!p0 s1  }
0xb8: {  	[bflag:$0x3] =	sbarrier.arrive $0xFFFF  }
0xb9: {  	_ =	shalt  }

</sc_bundles>
